<compile_context>
chip_gen: v7x
topology: tpu7x:2x2x1
jax: 0.10.2.dev20260603
libtpu: 0.0.44.dev20260713+nightly
codegen_flags: <defaults>
</compile_context>

<pallas_src>
import functools

import jax
import jax.numpy as jnp
from jax import lax
from jax.experimental import pallas as pl
from jax.experimental.pallas import tpu as pltpu
from jax.experimental.pallas import tpu_sc as plsc

_CHUNK = 64
_GROUP = 5


@functools.lru_cache(maxsize=None)
def _make_gather(batch, hist, vocab, embed_dim):
    info = plsc.get_sparse_core_info()
    num_cores = info.num_cores
    num_workers = info.num_cores * info.num_subcores
    batch_total = batch * hist
    b_per_w = batch // num_workers
    rows_per_w = b_per_w * hist
    nchunk = rows_per_w // _CHUNK
    chunks_per_h = b_per_w // _CHUNK
    assert batch % num_workers == 0 and b_per_w % _CHUNK == 0
    ngroups = nchunk // _GROUP
    assert nchunk % _GROUP == 0

    mesh = plsc.VectorSubcoreMesh(core_axis_name="c", subcore_axis_name="s")

    @functools.partial(
        pl.kernel,
        mesh=mesh,
        out_type=jax.ShapeDtypeStruct((batch_total, embed_dim), jnp.float32),
        compiler_params=pltpu.CompilerParams(use_tc_tiling_on_sc=True),
        scratch_types=[
            pltpu.VMEM((rows_per_w,), jnp.int32),
            pltpu.VMEM((_GROUP * _CHUNK, embed_dim), jnp.float32),
            pltpu.VMEM((_GROUP * _CHUNK, embed_dim), jnp.float32),
            pltpu.SemaphoreType.DMA,
            pltpu.SemaphoreType.DMA,
            pltpu.SemaphoreType.DMA,
            pltpu.SemaphoreType.DMA,
        ],
    )
    def gather_kernel(idx_hbm, table_hbm, out_hbm, idx_v, buf_a, buf_b,
                      gsem_a, gsem_b, wsem_a, wsem_b):
        wid = lax.axis_index("s") * num_cores + lax.axis_index("c")
        pltpu.sync_copy(idx_hbm.at[pl.ds(wid * rows_per_w, rows_per_w)], idx_v)

        def start_gather(g, buf, gsem):
            for k in range(_GROUP):
                pltpu.async_copy(
                    table_hbm.at[
                        idx_v.at[pl.ds((g * _GROUP + k) * _CHUNK, _CHUNK)]],
                    buf.at[pl.ds(k * _CHUNK, _CHUNK)], gsem)

        def wait_gather(buf, gsem):
            for k in range(_GROUP):
                pltpu.make_async_copy(
                    table_hbm.at[pl.ds(0, _CHUNK)],
                    buf.at[pl.ds(k * _CHUNK, _CHUNK)], gsem).wait()

        def start_write(g, buf, wsem):
            for k in range(_GROUP):
                c = g * _GROUP + k
                row = ((c // chunks_per_h) * batch + wid * b_per_w
                       + (c % chunks_per_h) * _CHUNK)
                pltpu.async_copy(
                    buf.at[pl.ds(k * _CHUNK, _CHUNK)],
                    out_hbm.at[pl.ds(row, _CHUNK)], wsem)

        def wait_write(buf, wsem):
            for k in range(_GROUP):
                pltpu.make_async_copy(
                    buf.at[pl.ds(k * _CHUNK, _CHUNK)],
                    out_hbm.at[pl.ds(0, _CHUNK)], wsem).wait()

        start_gather(0, buf_a, gsem_a)
        wait_gather(buf_a, gsem_a)
        start_write(0, buf_a, wsem_a)
        start_gather(1, buf_b, gsem_b)

        def pair(j, carry):
            g1 = 2 * j + 1
            wait_gather(buf_b, gsem_b)
            start_write(g1, buf_b, wsem_b)
            wait_write(buf_a, wsem_a)
            start_gather(g1 + 1, buf_a, gsem_a)
            wait_gather(buf_a, gsem_a)
            start_write(g1 + 1, buf_a, wsem_a)
            wait_write(buf_b, wsem_b)
            start_gather(g1 + 2, buf_b, gsem_b)
            return carry

        lax.fori_loop(0, (ngroups - 2) // 2, pair, 0)

        if ngroups % 2 == 1:
            wait_gather(buf_b, gsem_b)
            start_write(ngroups - 2, buf_b, wsem_b)
            wait_write(buf_a, wsem_a)
            start_gather(ngroups - 1, buf_a, gsem_a)
            wait_gather(buf_a, gsem_a)
            start_write(ngroups - 1, buf_a, wsem_a)
            wait_write(buf_b, wsem_b)
            wait_write(buf_a, wsem_a)
        else:
            wait_gather(buf_b, gsem_b)
            start_write(ngroups - 1, buf_b, wsem_b)
            wait_write(buf_a, wsem_a)
            wait_write(buf_b, wsem_b)

    return gather_kernel, num_workers, b_per_w


def kernel(x, table):
    batch, hist = x.shape
    vocab, embed_dim = table.shape
    gather_kernel, num_workers, b_per_w = _make_gather(batch, hist, vocab, embed_dim)
    idx = (
        x.astype(jnp.int32)
        .reshape(num_workers, b_per_w, hist)
        .transpose(0, 2, 1)
        .reshape(-1)
    )
    out = gather_kernel(idx, table)
    return out.reshape(hist, batch, embed_dim).transpose(1, 0, 2)

# --- scband reference (transcript-rebuilt; emitter-appended) ---
"""Pipeline reference for scband-log-token-embedding-21174188769752 (READ-ONLY COPY).

The authoritative reference and input builder live on the scoring server;
editing this copy changes nothing except your own understanding.
"""

import jax, jax.numpy as jnp
import numpy as np

VOCAB_SIZE = 100000
EMBED_DIM = 128
BATCH = 4096
HIST = 50

def setup_inputs(seed: int = 0) -> dict:
    key = jax.random.key(seed)
    k1, k2 = jax.random.split(key)
    x = jax.random.randint(k1, (BATCH, HIST), 0, VOCAB_SIZE, dtype=jnp.int64 if jax.config.jax_enable_x64 else jnp.int32)
    # nn.Embedding default init: N(0, 1)
    table = jax.random.normal(k2, (VOCAB_SIZE, EMBED_DIM), dtype=jnp.float32)
    return {"x": x, "table": table}

def reference(x, table):
    # LogTokenEmbedding.forward: self.embedding(x)
    return jnp.take(table, x, axis=0)

if __name__ == "__main__":
    import jax
    _d = setup_inputs()
    print(jax.jit(kernel)(*tuple(_d.values())))

</pallas_src>

<mosaic_0001>
#map = affine_map<(d0, d1) -> (0)>
#map1 = affine_map<(d0, d1) -> (0, 0)>
module attributes {stable_mosaic.version = 14 : i64} {
  func.func @gather_kernel(%arg0: i32, %arg1: i32, %arg2: memref<204800xi32, #tpu.memory_space<hbm>>, %arg3: memref<100000x128xf32, #tpu.memory_space<hbm>>, %arg4: memref<204800x128xf32, #tpu.memory_space<hbm>>, %arg5: memref<6400xi32, #tpu.memory_space<vmem>>, %arg6: memref<320x128xf32, #tpu.memory_space<vmem>>, %arg7: memref<320x128xf32, #tpu.memory_space<vmem>>, %arg8: memref<!tpu.dma_semaphore, #tpu.memory_space<semaphore_mem>>, %arg9: memref<!tpu.dma_semaphore, #tpu.memory_space<semaphore_mem>>, %arg10: memref<!tpu.dma_semaphore, #tpu.memory_space<semaphore_mem>>, %arg11: memref<!tpu.dma_semaphore, #tpu.memory_space<semaphore_mem>>) attributes {dimension_semantics = [#tpu.dimension_semantics<core_parallel>, #tpu.dimension_semantics<subcore_parallel>], iteration_bounds = array<i64: 2, 16>, scalar_prefetch = 0 : i64, scratch_operands = 7 : i64, tpu.core_type = #tpu.core_type<sc_vector_subcore>, window_params = [{transform_indices = #map}, {transform_indices = #map1}, {transform_indices = #map1}]} {
    %mul3A = arith.constant 2 : i32
    %mul3A_0 = arith.muli %arg1, %mul3A : i32
    %add3A = arith.addi %mul3A_0, %arg0 : i32
    %mul3A_1 = arith.constant 6400 : i32
    %mul3A_2 = arith.muli %add3A, %mul3A_1 : i32
    "tpu.region"() ({
      %run_scoped3A = tpu.sem_alloc : memref<!tpu.dma_semaphore, #tpu.memory_space<semaphore_mem>>
      %dma_start3A_486 = tpu.memref_slice %arg2[%mul3A_2] : memref<204800xi32, #tpu.memory_space<hbm>> -> memref<6400xi32, #tpu.memory_space<hbm>>
      %dma_start3A_487 = tpu.memref_slice %arg2[%mul3A_2] : memref<204800xi32, #tpu.memory_space<hbm>> -> memref<6400xi32, #tpu.memory_space<hbm>>
      tpu.enqueue_dma source(%dma_start3A_487 : memref<6400xi32, #tpu.memory_space<hbm>>) target(%arg5 : memref<6400xi32, #tpu.memory_space<vmem>>) target_semaphore(%run_scoped3A : memref<!tpu.dma_semaphore, #tpu.memory_space<semaphore_mem>>)
      %dma_wait3A_488 = tpu.memref_slice %arg2[%mul3A_2] : memref<204800xi32, #tpu.memory_space<hbm>> -> memref<6400xi32, #tpu.memory_space<hbm>>
      %dma_wait3A_489 = tpu.memref_slice %arg2[%mul3A_2] : memref<204800xi32, #tpu.memory_space<hbm>> -> memref<6400xi32, #tpu.memory_space<hbm>>
      tpu.wait_dma2 semaphore(%run_scoped3A : memref<!tpu.dma_semaphore, #tpu.memory_space<semaphore_mem>>) src(%dma_wait3A_489 : memref<6400xi32, #tpu.memory_space<hbm>>) dst(%arg5 : memref<6400xi32, #tpu.memory_space<vmem>>)
      tpu.yield
    }) : () -> ()
    %dma_start3A = arith.constant 0 : i32
    %dma_start3A_3 = arith.constant 0 : i32
    %dma_start3A_4 = tpu.memref_slice %arg6[%dma_start3A, %dma_start3A_3] : memref<320x128xf32, #tpu.memory_space<vmem>> -> memref<64x128xf32, #tpu.memory_space<vmem>>
    %dma_start3A_5 = arith.constant 0 : i32
    %dma_start3A_6 = tpu.memref_slice %arg5[%dma_start3A_5] : memref<6400xi32, #tpu.memory_space<vmem>> -> memref<64xi32, #tpu.memory_space<vmem>>
    %dma_start3A_7 = arith.constant 0 : i32
    %dma_start3A_8 = arith.constant 0 : i32
    %dma_start3A_9 = tpu.memref_slice %arg3[%dma_start3A_7, %dma_start3A_8] : memref<100000x128xf32, #tpu.memory_space<hbm>> -> memref<100000x128xf32, #tpu.memory_space<hbm>>
    tpu.enqueue_indirect_dma source(%dma_start3A_9 : memref<100000x128xf32, #tpu.memory_space<hbm>>) target(%dma_start3A_4 : memref<64x128xf32, #tpu.memory_space<vmem>>) offsets(%dma_start3A_6 : memref<64xi32, #tpu.memory_space<vmem>>) semaphore(%arg8 : memref<!tpu.dma_semaphore, #tpu.memory_space<semaphore_mem>>)
    %dma_start3A_10 = arith.constant 64 : i32
    %dma_start3A_11 = arith.constant 0 : i32
    %dma_start3A_12 = tpu.memref_slice %arg6[%dma_start3A_10, %dma_start3A_11] : memref<320x128xf32, #tpu.memory_space<vmem>> -> memref<64x128xf32, #tpu.memory_space<vmem>>
    %dma_start3A_13 = arith.constant 64 : i32
    %dma_start3A_14 = tpu.memref_slice %arg5[%dma_start3A_13] : memref<6400xi32, #tpu.memory_space<vmem>> -> memref<64xi32, #tpu.memory_space<vmem>>
    %dma_start3A_15 = arith.constant 0 : i32
    %dma_start3A_16 = arith.constant 0 : i32
    %dma_start3A_17 = tpu.memref_slice %arg3[%dma_start3A_15, %dma_start3A_16] : memref<100000x128xf32, #tpu.memory_space<hbm>> -> memref<100000x128xf32, #tpu.memory_space<hbm>>
    tpu.enqueue_indirect_dma source(%dma_start3A_17 : memref<100000x128xf32, #tpu.memory_space<hbm>>) target(%dma_start3A_12 : memref<64x128xf32, #tpu.memory_space<vmem>>) offsets(%dma_start3A_14 : memref<64xi32, #tpu.memory_space<vmem>>) semaphore(%arg8 : memref<!tpu.dma_semaphore, #tpu.memory_space<semaphore_mem>>)
    %dma_start3A_18 = arith.constant 128 : i32
    %dma_start3A_19 = arith.constant 0 : i32
    %dma_start3A_20 = tpu.memref_slice %arg6[%dma_start3A_18, %dma_start3A_19] : memref<320x128xf32, #tpu.memory_space<vmem>> -> memref<64x128xf32, #tpu.memory_space<vmem>>
    %dma_start3A_21 = arith.constant 128 : i32
    %dma_start3A_22 = tpu.memref_slice %arg5[%dma_start3A_21] : memref<6400xi32, #tpu.memory_space<vmem>> -> memref<64xi32, #tpu.memory_space<vmem>>
    %dma_start3A_23 = arith.constant 0 : i32
    %dma_start3A_24 = arith.constant 0 : i32
    %dma_start3A_25 = tpu.memref_slice %arg3[%dma_start3A_23, %dma_start3A_24] : memref<100000x128xf32, #tpu.memory_space<hbm>> -> memref<100000x128xf32, #tpu.memory_space<hbm>>
    tpu.enqueue_indirect_dma source(%dma_start3A_25 : memref<100000x128xf32, #tpu.memory_space<hbm>>) target(%dma_start3A_20 : memref<64x128xf32, #tpu.memory_space<vmem>>) offsets(%dma_start3A_22 : memref<64xi32, #tpu.memory_space<vmem>>) semaphore(%arg8 : memref<!tpu.dma_semaphore, #tpu.memory_space<semaphore_mem>>)
    %dma_start3A_26 = arith.constant 192 : i32
    %dma_start3A_27 = arith.constant 0 : i32
    %dma_start3A_28 = tpu.memref_slice %arg6[%dma_start3A_26, %dma_start3A_27] : memref<320x128xf32, #tpu.memory_space<vmem>> -> memref<64x128xf32, #tpu.memory_space<vmem>>
    %dma_start3A_29 = arith.constant 192 : i32
    %dma_start3A_30 = tpu.memref_slice %arg5[%dma_start3A_29] : memref<6400xi32, #tpu.memory_space<vmem>> -> memref<64xi32, #tpu.memory_space<vmem>>
    %dma_start3A_31 = arith.constant 0 : i32
    %dma_start3A_32 = arith.constant 0 : i32
    %dma_start3A_33 = tpu.memref_slice %arg3[%dma_start3A_31, %dma_start3A_32] : memref<100000x128xf32, #tpu.memory_space<hbm>> -> memref<100000x128xf32, #tpu.memory_space<hbm>>
    tpu.enqueue_indirect_dma source(%dma_start3A_33 : memref<100000x128xf32, #tpu.memory_space<hbm>>) target(%dma_start3A_28 : memref<64x128xf32, #tpu.memory_space<vmem>>) offsets(%dma_start3A_30 : memref<64xi32, #tpu.memory_space<vmem>>) semaphore(%arg8 : memref<!tpu.dma_semaphore, #tpu.memory_space<semaphore_mem>>)
    %dma_start3A_34 = arith.constant 256 : i32
    %dma_start3A_35 = arith.constant 0 : i32
    %dma_start3A_36 = tpu.memref_slice %arg6[%dma_start3A_34, %dma_start3A_35] : memref<320x128xf32, #tpu.memory_space<vmem>> -> memref<64x128xf32, #tpu.memory_space<vmem>>
    %dma_start3A_37 = arith.constant 256 : i32
    %dma_start3A_38 = tpu.memref_slice %arg5[%dma_start3A_37] : memref<6400xi32, #tpu.memory_space<vmem>> -> memref<64xi32, #tpu.memory_space<vmem>>
    %dma_start3A_39 = arith.constant 0 : i32
    %dma_start3A_40 = arith.constant 0 : i32
    %dma_start3A_41 = tpu.memref_slice %arg3[%dma_start3A_39, %dma_start3A_40] : memref<100000x128xf32, #tpu.memory_space<hbm>> -> memref<100000x128xf32, #tpu.memory_space<hbm>>
    tpu.enqueue_indirect_dma source(%dma_start3A_41 : memref<100000x128xf32, #tpu.memory_space<hbm>>) target(%dma_start3A_36 : memref<64x128xf32, #tpu.memory_space<vmem>>) offsets(%dma_start3A_38 : memref<64xi32, #tpu.memory_space<vmem>>) semaphore(%arg8 : memref<!tpu.dma_semaphore, #tpu.memory_space<semaphore_mem>>)
    %dma_wait3A = arith.constant 0 : i32
    %dma_wait3A_42 = arith.constant 0 : i32
    %dma_wait3A_43 = tpu.memref_slice %arg6[%dma_wait3A, %dma_wait3A_42] : memref<320x128xf32, #tpu.memory_space<vmem>> -> memref<64x128xf32, #tpu.memory_space<vmem>>
    %dma_wait3A_44 = arith.constant 0 : i32
    %dma_wait3A_45 = arith.constant 0 : i32
    %dma_wait3A_46 = tpu.memref_slice %arg3[%dma_wait3A_44, %dma_wait3A_45] : memref<100000x128xf32, #tpu.memory_space<hbm>> -> memref<64x128xf32, #tpu.memory_space<hbm>>
    %dma_wait3A_47 = arith.constant 0 : i32
    %dma_wait3A_48 = arith.constant 0 : i32
    %dma_wait3A_49 = tpu.memref_slice %arg6[%dma_wait3A_47, %dma_wait3A_48] : memref<320x128xf32, #tpu.memory_space<vmem>> -> memref<64x128xf32, #tpu.memory_space<vmem>>
    %dma_wait3A_50 = arith.constant 0 : i32
    %dma_wait3A_51 = arith.constant 0 : i32
    %dma_wait3A_52 = tpu.memref_slice %arg3[%dma_wait3A_50, %dma_wait3A_51] : memref<100000x128xf32, #tpu.memory_space<hbm>> -> memref<64x128xf32, #tpu.memory_space<hbm>>
    tpu.wait_dma2 semaphore(%arg8 : memref<!tpu.dma_semaphore, #tpu.memory_space<semaphore_mem>>) src(%dma_wait3A_52 : memref<64x128xf32, #tpu.memory_space<hbm>>) dst(%dma_wait3A_49 : memref<64x128xf32, #tpu.memory_space<vmem>>)
    %dma_wait3A_53 = arith.constant 64 : i32
    %dma_wait3A_54 = arith.constant 0 : i32
    %dma_wait3A_55 = tpu.memref_slice %arg6[%dma_wait3A_53, %dma_wait3A_54] : memref<320x128xf32, #tpu.memory_space<vmem>> -> memref<64x128xf32, #tpu.memory_space<vmem>>
    %dma_wait3A_56 = arith.constant 0 : i32
    %dma_wait3A_57 = arith.constant 0 : i32
    %dma_wait3A_58 = tpu.memref_slice %arg3[%dma_wait3A_56, %dma_wait3A_57] : memref<100000x128xf32, #tpu.memory_space<hbm>> -> memref<64x128xf32, #tpu.memory_space<hbm>>
    %dma_wait3A_59 = arith.constant 64 : i32
    %dma_wait3A_60 = arith.constant 0 : i32
    %dma_wait3A_61 = tpu.memref_slice %arg6[%dma_wait3A_59, %dma_wait3A_60] : memref<320x128xf32, #tpu.memory_space<vmem>> -> memref<64x128xf32, #tpu.memory_space<vmem>>
    %dma_wait3A_62 = arith.constant 0 : i32
    %dma_wait3A_63 = arith.constant 0 : i32
    %dma_wait3A_64 = tpu.memref_slice %arg3[%dma_wait3A_62, %dma_wait3A_63] : memref<100000x128xf32, #tpu.memory_space<hbm>> -> memref<64x128xf32, #tpu.memory_space<hbm>>
    tpu.wait_dma2 semaphore(%arg8 : memref<!tpu.dma_semaphore, #tpu.memory_space<semaphore_mem>>) src(%dma_wait3A_64 : memref<64x128xf32, #tpu.memory_space<hbm>>) dst(%dma_wait3A_61 : memref<64x128xf32, #tpu.memory_space<vmem>>)
    %dma_wait3A_65 = arith.constant 128 : i32
    %dma_wait3A_66 = arith.constant 0 : i32
    %dma_wait3A_67 = tpu.memref_slice %arg6[%dma_wait3A_65, %dma_wait3A_66] : memref<320x128xf32, #tpu.memory_space<vmem>> -> memref<64x128xf32, #tpu.memory_space<vmem>>
    %dma_wait3A_68 = arith.constant 0 : i32
    %dma_wait3A_69 = arith.constant 0 : i32
    %dma_wait3A_70 = tpu.memref_slice %arg3[%dma_wait3A_68, %dma_wait3A_69] : memref<100000x128xf32, #tpu.memory_space<hbm>> -> memref<64x128xf32, #tpu.memory_space<hbm>>
    %dma_wait3A_71 = arith.constant 128 : i32
    %dma_wait3A_72 = arith.constant 0 : i32
    %dma_wait3A_73 = tpu.memref_slice %arg6[%dma_wait3A_71, %dma_wait3A_72] : memref<320x128xf32, #tpu.memory_space<vmem>> -> memref<64x128xf32, #tpu.memory_space<vmem>>
    %dma_wait3A_74 = arith.constant 0 : i32
    %dma_wait3A_75 = arith.constant 0 : i32
    %dma_wait3A_76 = tpu.memref_slice %arg3[%dma_wait3A_74, %dma_wait3A_75] : memref<100000x128xf32, #tpu.memory_space<hbm>> -> memref<64x128xf32, #tpu.memory_space<hbm>>
    tpu.wait_dma2 semaphore(%arg8 : memref<!tpu.dma_semaphore, #tpu.memory_space<semaphore_mem>>) src(%dma_wait3A_76 : memref<64x128xf32, #tpu.memory_space<hbm>>) dst(%dma_wait3A_73 : memref<64x128xf32, #tpu.memory_space<vmem>>)
    %dma_wait3A_77 = arith.constant 192 : i32
    %dma_wait3A_78 = arith.constant 0 : i32
    %dma_wait3A_79 = tpu.memref_slice %arg6[%dma_wait3A_77, %dma_wait3A_78] : memref<320x128xf32, #tpu.memory_space<vmem>> -> memref<64x128xf32, #tpu.memory_space<vmem>>
    %dma_wait3A_80 = arith.constant 0 : i32
    %dma_wait3A_81 = arith.constant 0 : i32
    %dma_wait3A_82 = tpu.memref_slice %arg3[%dma_wait3A_80, %dma_wait3A_81] : memref<100000x128xf32, #tpu.memory_space<hbm>> -> memref<64x128xf32, #tpu.memory_space<hbm>>
    %dma_wait3A_83 = arith.constant 192 : i32
    %dma_wait3A_84 = arith.constant 0 : i32
    %dma_wait3A_85 = tpu.memref_slice %arg6[%dma_wait3A_83, %dma_wait3A_84] : memref<320x128xf32, #tpu.memory_space<vmem>> -> memref<64x128xf32, #tpu.memory_space<vmem>>
    %dma_wait3A_86 = arith.constant 0 : i32
    %dma_wait3A_87 = arith.constant 0 : i32
    %dma_wait3A_88 = tpu.memref_slice %arg3[%dma_wait3A_86, %dma_wait3A_87] : memref<100000x128xf32, #tpu.memory_space<hbm>> -> memref<64x128xf32, #tpu.memory_space<hbm>>
    tpu.wait_dma2 semaphore(%arg8 : memref<!tpu.dma_semaphore, #tpu.memory_space<semaphore_mem>>) src(%dma_wait3A_88 : memref<64x128xf32, #tpu.memory_space<hbm>>) dst(%dma_wait3A_85 : memref<64x128xf32, #tpu.memory_space<vmem>>)
    %dma_wait3A_89 = arith.constant 256 : i32
    %dma_wait3A_90 = arith.constant 0 : i32
    %dma_wait3A_91 = tpu.memref_slice %arg6[%dma_wait3A_89, %dma_wait3A_90] : memref<320x128xf32, #tpu.memory_space<vmem>> -> memref<64x128xf32, #tpu.memory_space<vmem>>
    %dma_wait3A_92 = arith.constant 0 : i32
    %dma_wait3A_93 = arith.constant 0 : i32
    %dma_wait3A_94 = tpu.memref_slice %arg3[%dma_wait3A_92, %dma_wait3A_93] : memref<100000x128xf32, #tpu.memory_space<hbm>> -> memref<64x128xf32, #tpu.memory_space<hbm>>
    %dma_wait3A_95 = arith.constant 256 : i32
    %dma_wait3A_96 = arith.constant 0 : i32
    %dma_wait3A_97 = tpu.memref_slice %arg6[%dma_wait3A_95, %dma_wait3A_96] : memref<320x128xf32, #tpu.memory_space<vmem>> -> memref<64x128xf32, #tpu.memory_space<vmem>>
    %dma_wait3A_98 = arith.constant 0 : i32
    %dma_wait3A_99 = arith.constant 0 : i32
    %dma_wait3A_100 = tpu.memref_slice %arg3[%dma_wait3A_98, %dma_wait3A_99] : memref<100000x128xf32, #tpu.memory_space<hbm>> -> memref<64x128xf32, #tpu.memory_space<hbm>>
    tpu.wait_dma2 semaphore(%arg8 : memref<!tpu.dma_semaphore, #tpu.memory_space<semaphore_mem>>) src(%dma_wait3A_100 : memref<64x128xf32, #tpu.memory_space<hbm>>) dst(%dma_wait3A_97 : memref<64x128xf32, #tpu.memory_space<vmem>>)
    %mul3A_101 = arith.constant 128 : i32
    %mul3A_102 = arith.muli %add3A, %mul3A_101 : i32
    %add3A_103 = arith.constant 0 : i32
    %add3A_104 = arith.addi %add3A_103, %mul3A_102 : i32
    %add3A_105 = arith.constant 0 : i32
    %add3A_106 = arith.addi %add3A_104, %add3A_105 : i32
    %dma_start3A_107 = arith.constant 0 : i32
    %dma_start3A_108 = arith.constant 0 : i32
    %dma_start3A_109 = tpu.memref_slice %arg6[%dma_start3A_107, %dma_start3A_108] : memref<320x128xf32, #tpu.memory_space<vmem>> -> memref<64x128xf32, #tpu.memory_space<vmem>>
    %dma_start3A_110 = arith.constant 0 : i32
    %dma_start3A_111 = tpu.memref_slice %arg4[%add3A_106, %dma_start3A_110] : memref<204800x128xf32, #tpu.memory_space<hbm>> -> memref<64x128xf32, #tpu.memory_space<hbm>>
    %dma_start3A_112 = arith.constant 0 : i32
    %dma_start3A_113 = tpu.memref_slice %arg4[%add3A_106, %dma_start3A_112] : memref<204800x128xf32, #tpu.memory_space<hbm>> -> memref<64x128xf32, #tpu.memory_space<hbm>>
    %dma_start3A_114 = arith.constant 0 : i32
    %dma_start3A_115 = arith.constant 0 : i32
    %dma_start3A_116 = tpu.memref_slice %arg6[%dma_start3A_114, %dma_start3A_115] : memref<320x128xf32, #tpu.memory_space<vmem>> -> memref<64x128xf32, #tpu.memory_space<vmem>>
    tpu.enqueue_dma source(%dma_start3A_116 : memref<64x128xf32, #tpu.memory_space<vmem>>) target(%dma_start3A_113 : memref<64x128xf32, #tpu.memory_space<hbm>>) target_semaphore(%arg10 : memref<!tpu.dma_semaphore, #tpu.memory_space<semaphore_mem>>)
    %mul3A_117 = arith.constant 128 : i32
    %mul3A_118 = arith.muli %add3A, %mul3A_117 : i32
    %add3A_119 = arith.constant 0 : i32
    %add3A_120 = arith.addi %add3A_119, %mul3A_118 : i32
    %add3A_121 = arith.constant 64 : i32
    %add3A_122 = arith.addi %add3A_120, %add3A_121 : i32
    %dma_start3A_123 = arith.constant 64 : i32
    %dma_start3A_124 = arith.constant 0 : i32
    %dma_start3A_125 = tpu.memref_slice %arg6[%dma_start3A_123, %dma_start3A_124] : memref<320x128xf32, #tpu.memory_space<vmem>> -> memref<64x128xf32, #tpu.memory_space<vmem>>
    %dma_start3A_126 = arith.constant 0 : i32
    %dma_start3A_127 = tpu.memref_slice %arg4[%add3A_122, %dma_start3A_126] : memref<204800x128xf32, #tpu.memory_space<hbm>> -> memref<64x128xf32, #tpu.memory_space<hbm>>
    %dma_start3A_128 = arith.constant 0 : i32
    %dma_start3A_129 = tpu.memref_slice %arg4[%add3A_122, %dma_start3A_128] : memref<204800x128xf32, #tpu.memory_space<hbm>> -> memref<64x128xf32, #tpu.memory_space<hbm>>
    %dma_start3A_130 = arith.constant 64 : i32
    %dma_start3A_131 = arith.constant 0 : i32
    %dma_start3A_132 = tpu.memref_slice %arg6[%dma_start3A_130, %dma_start3A_131] : memref<320x128xf32, #tpu.memory_space<vmem>> -> memref<64x128xf32, #tpu.memory_space<vmem>>
    tpu.enqueue_dma source(%dma_start3A_132 : memref<64x128xf32, #tpu.memory_space<vmem>>) target(%dma_start3A_129 : memref<64x128xf32, #tpu.memory_space<hbm>>) target_semaphore(%arg10 : memref<!tpu.dma_semaphore, #tpu.memory_space<semaphore_mem>>)
    %mul3A_133 = arith.constant 128 : i32
    %mul3A_134 = arith.muli %add3A, %mul3A_133 : i32
    %add3A_135 = arith.constant 4096 : i32
    %add3A_136 = arith.addi %add3A_135, %mul3A_134 : i32
    %add3A_137 = arith.constant 0 : i32
    %add3A_138 = arith.addi %add3A_136, %add3A_137 : i32
    %dma_start3A_139 = arith.constant 128 : i32
    %dma_start3A_140 = arith.constant 0 : i32
    %dma_start3A_141 = tpu.memref_slice %arg6[%dma_start3A_139, %dma_start3A_140] : memref<320x128xf32, #tpu.memory_space<vmem>> -> memref<64x128xf32, #tpu.memory_space<vmem>>
    %dma_start3A_142 = arith.constant 0 : i32
    %dma_start3A_143 = tpu.memref_slice %arg4[%add3A_138, %dma_start3A_142] : memref<204800x128xf32, #tpu.memory_space<hbm>> -> memref<64x128xf32, #tpu.memory_space<hbm>>
    %dma_start3A_144 = arith.constant 0 : i32
    %dma_start3A_145 = tpu.memref_slice %arg4[%add3A_138, %dma_start3A_144] : memref<204800x128xf32, #tpu.memory_space<hbm>> -> memref<64x128xf32, #tpu.memory_space<hbm>>
    %dma_start3A_146 = arith.constant 128 : i32
    %dma_start3A_147 = arith.constant 0 : i32
    %dma_start3A_148 = tpu.memref_slice %arg6[%dma_start3A_146, %dma_start3A_147] : memref<320x128xf32, #tpu.memory_space<vmem>> -> memref<64x128xf32, #tpu.memory_space<vmem>>
    tpu.enqueue_dma source(%dma_start3A_148 : memref<64x128xf32, #tpu.memory_space<vmem>>) target(%dma_start3A_145 : memref<64x128xf32, #tpu.memory_space<hbm>>) target_semaphore(%arg10 : memref<!tpu.dma_semaphore, #tpu.memory_space<semaphore_mem>>)
    %mul3A_149 = arith.constant 128 : i32
    %mul3A_150 = arith.muli %add3A, %mul3A_149 : i32
    %add3A_151 = arith.constant 4096 : i32
    %add3A_152 = arith.addi %add3A_151, %mul3A_150 : i32
    %add3A_153 = arith.constant 64 : i32
    %add3A_154 = arith.addi %add3A_152, %add3A_153 : i32
    %dma_start3A_155 = arith.constant 192 : i32
    %dma_start3A_156 = arith.constant 0 : i32
    %dma_start3A_157 = tpu.memref_slice %arg6[%dma_start3A_155, %dma_start3A_156] : memref<320x128xf32, #tpu.memory_space<vmem>> -> memref<64x128xf32, #tpu.memory_space<vmem>>
    %dma_start3A_158 = arith.constant 0 : i32
    %dma_start3A_159 = tpu.memref_slice %arg4[%add3A_154, %dma_start3A_158] : memref<204800x128xf32, #tpu.memory_space<hbm>> -> memref<64x128xf32, #tpu.memory_space<hbm>>
    %dma_start3A_160 = arith.constant 0 : i32
    %dma_start3A_161 = tpu.memref_slice %arg4[%add3A_154, %dma_start3A_160] : memref<204800x128xf32, #tpu.memory_space<hbm>> -> memref<64x128xf32, #tpu.memory_space<hbm>>
    %dma_start3A_162 = arith.constant 192 : i32
    %dma_start3A_163 = arith.constant 0 : i32
    %dma_start3A_164 = tpu.memref_slice %arg6[%dma_start3A_162, %dma_start3A_163] : memref<320x128xf32, #tpu.memory_space<vmem>> -> memref<64x128xf32, #tpu.memory_space<vmem>>
    tpu.enqueue_dma source(%dma_start3A_164 : memref<64x128xf32, #tpu.memory_space<vmem>>) target(%dma_start3A_161 : memref<64x128xf32, #tpu.memory_space<hbm>>) target_semaphore(%arg10 : memref<!tpu.dma_semaphore, #tpu.memory_space<semaphore_mem>>)
    %mul3A_165 = arith.constant 128 : i32
    %mul3A_166 = arith.muli %add3A, %mul3A_165 : i32
    %add3A_167 = arith.constant 8192 : i32
    %add3A_168 = arith.addi %add3A_167, %mul3A_166 : i32
    %add3A_169 = arith.constant 0 : i32
    %add3A_170 = arith.addi %add3A_168, %add3A_169 : i32
    %dma_start3A_171 = arith.constant 256 : i32
    %dma_start3A_172 = arith.constant 0 : i32
    %dma_start3A_173 = tpu.memref_slice %arg6[%dma_start3A_171, %dma_start3A_172] : memref<320x128xf32, #tpu.memory_space<vmem>> -> memref<64x128xf32, #tpu.memory_space<vmem>>
    %dma_start3A_174 = arith.constant 0 : i32
    %dma_start3A_175 = tpu.memref_slice %arg4[%add3A_170, %dma_start3A_174] : memref<204800x128xf32, #tpu.memory_space<hbm>> -> memref<64x128xf32, #tpu.memory_space<hbm>>
    %dma_start3A_176 = arith.constant 0 : i32
    %dma_start3A_177 = tpu.memref_slice %arg4[%add3A_170, %dma_start3A_176] : memref<204800x128xf32, #tpu.memory_space<hbm>> -> memref<64x128xf32, #tpu.memory_space<hbm>>
    %dma_start3A_178 = arith.constant 256 : i32
    %dma_start3A_179 = arith.constant 0 : i32
    %dma_start3A_180 = tpu.memref_slice %arg6[%dma_start3A_178, %dma_start3A_179] : memref<320x128xf32, #tpu.memory_space<vmem>> -> memref<64x128xf32, #tpu.memory_space<vmem>>
    tpu.enqueue_dma source(%dma_start3A_180 : memref<64x128xf32, #tpu.memory_space<vmem>>) target(%dma_start3A_177 : memref<64x128xf32, #tpu.memory_space<hbm>>) target_semaphore(%arg10 : memref<!tpu.dma_semaphore, #tpu.memory_space<semaphore_mem>>)
    %dma_start3A_181 = arith.constant 0 : i32
    %dma_start3A_182 = arith.constant 0 : i32
    %dma_start3A_183 = tpu.memref_slice %arg7[%dma_start3A_181, %dma_start3A_182] : memref<320x128xf32, #tpu.memory_space<vmem>> -> memref<64x128xf32, #tpu.memory_space<vmem>>
    %dma_start3A_184 = arith.constant 320 : i32
    %dma_start3A_185 = tpu.memref_slice %arg5[%dma_start3A_184] : memref<6400xi32, #tpu.memory_space<vmem>> -> memref<64xi32, #tpu.memory_space<vmem>>
    %dma_start3A_186 = arith.constant 0 : i32
    %dma_start3A_187 = arith.constant 0 : i32
    %dma_start3A_188 = tpu.memref_slice %arg3[%dma_start3A_186, %dma_start3A_187] : memref<100000x128xf32, #tpu.memory_space<hbm>> -> memref<100000x128xf32, #tpu.memory_space<hbm>>
    tpu.enqueue_indirect_dma source(%dma_start3A_188 : memref<100000x128xf32, #tpu.memory_space<hbm>>) target(%dma_start3A_183 : memref<64x128xf32, #tpu.memory_space<vmem>>) offsets(%dma_start3A_185 : memref<64xi32, #tpu.memory_space<vmem>>) semaphore(%arg9 : memref<!tpu.dma_semaphore, #tpu.memory_space<semaphore_mem>>)
    %dma_start3A_189 = arith.constant 64 : i32
    %dma_start3A_190 = arith.constant 0 : i32
    %dma_start3A_191 = tpu.memref_slice %arg7[%dma_start3A_189, %dma_start3A_190] : memref<320x128xf32, #tpu.memory_space<vmem>> -> memref<64x128xf32, #tpu.memory_space<vmem>>
    %dma_start3A_192 = arith.constant 384 : i32
    %dma_start3A_193 = tpu.memref_slice %arg5[%dma_start3A_192] : memref<6400xi32, #tpu.memory_space<vmem>> -> memref<64xi32, #tpu.memory_space<vmem>>
    %dma_start3A_194 = arith.constant 0 : i32
    %dma_start3A_195 = arith.constant 0 : i32
    %dma_start3A_196 = tpu.memref_slice %arg3[%dma_start3A_194, %dma_start3A_195] : memref<100000x128xf32, #tpu.memory_space<hbm>> -> memref<100000x128xf32, #tpu.memory_space<hbm>>
    tpu.enqueue_indirect_dma source(%dma_start3A_196 : memref<100000x128xf32, #tpu.memory_space<hbm>>) target(%dma_start3A_191 : memref<64x128xf32, #tpu.memory_space<vmem>>) offsets(%dma_start3A_193 : memref<64xi32, #tpu.memory_space<vmem>>) semaphore(%arg9 : memref<!tpu.dma_semaphore, #tpu.memory_space<semaphore_mem>>)
    %dma_start3A_197 = arith.constant 128 : i32
    %dma_start3A_198 = arith.constant 0 : i32
    %dma_start3A_199 = tpu.memref_slice %arg7[%dma_start3A_197, %dma_start3A_198] : memref<320x128xf32, #tpu.memory_space<vmem>> -> memref<64x128xf32, #tpu.memory_space<vmem>>
    %dma_start3A_200 = arith.constant 448 : i32
    %dma_start3A_201 = tpu.memref_slice %arg5[%dma_start3A_200] : memref<6400xi32, #tpu.memory_space<vmem>> -> memref<64xi32, #tpu.memory_space<vmem>>
    %dma_start3A_202 = arith.constant 0 : i32
    %dma_start3A_203 = arith.constant 0 : i32
    %dma_start3A_204 = tpu.memref_slice %arg3[%dma_start3A_202, %dma_start3A_203] : memref<100000x128xf32, #tpu.memory_space<hbm>> -> memref<100000x128xf32, #tpu.memory_space<hbm>>
    tpu.enqueue_indirect_dma source(%dma_start3A_204 : memref<100000x128xf32, #tpu.memory_space<hbm>>) target(%dma_start3A_199 : memref<64x128xf32, #tpu.memory_space<vmem>>) offsets(%dma_start3A_201 : memref<64xi32, #tpu.memory_space<vmem>>) semaphore(%arg9 : memref<!tpu.dma_semaphore, #tpu.memory_space<semaphore_mem>>)
    %dma_start3A_205 = arith.constant 192 : i32
    %dma_start3A_206 = arith.constant 0 : i32
    %dma_start3A_207 = tpu.memref_slice %arg7[%dma_start3A_205, %dma_start3A_206] : memref<320x128xf32, #tpu.memory_space<vmem>> -> memref<64x128xf32, #tpu.memory_space<vmem>>
    %dma_start3A_208 = arith.constant 512 : i32
    %dma_start3A_209 = tpu.memref_slice %arg5[%dma_start3A_208] : memref<6400xi32, #tpu.memory_space<vmem>> -> memref<64xi32, #tpu.memory_space<vmem>>
    %dma_start3A_210 = arith.constant 0 : i32
    %dma_start3A_211 = arith.constant 0 : i32
    %dma_start3A_212 = tpu.memref_slice %arg3[%dma_start3A_210, %dma_start3A_211] : memref<100000x128xf32, #tpu.memory_space<hbm>> -> memref<100000x128xf32, #tpu.memory_space<hbm>>
    tpu.enqueue_indirect_dma source(%dma_start3A_212 : memref<100000x128xf32, #tpu.memory_space<hbm>>) target(%dma_start3A_207 : memref<64x128xf32, #tpu.memory_space<vmem>>) offsets(%dma_start3A_209 : memref<64xi32, #tpu.memory_space<vmem>>) semaphore(%arg9 : memref<!tpu.dma_semaphore, #tpu.memory_space<semaphore_mem>>)
    %dma_start3A_213 = arith.constant 256 : i32
    %dma_start3A_214 = arith.constant 0 : i32
    %dma_start3A_215 = tpu.memref_slice %arg7[%dma_start3A_213, %dma_start3A_214] : memref<320x128xf32, #tpu.memory_space<vmem>> -> memref<64x128xf32, #tpu.memory_space<vmem>>
    %dma_start3A_216 = arith.constant 576 : i32
    %dma_start3A_217 = tpu.memref_slice %arg5[%dma_start3A_216] : memref<6400xi32, #tpu.memory_space<vmem>> -> memref<64xi32, #tpu.memory_space<vmem>>
    %dma_start3A_218 = arith.constant 0 : i32
    %dma_start3A_219 = arith.constant 0 : i32
    %dma_start3A_220 = tpu.memref_slice %arg3[%dma_start3A_218, %dma_start3A_219] : memref<100000x128xf32, #tpu.memory_space<hbm>> -> memref<100000x128xf32, #tpu.memory_space<hbm>>
    tpu.enqueue_indirect_dma source(%dma_start3A_220 : memref<100000x128xf32, #tpu.memory_space<hbm>>) target(%dma_start3A_215 : memref<64x128xf32, #tpu.memory_space<vmem>>) offsets(%dma_start3A_217 : memref<64xi32, #tpu.memory_space<vmem>>) semaphore(%arg9 : memref<!tpu.dma_semaphore, #tpu.memory_space<semaphore_mem>>)
    %scan3A = arith.constant 0 : i32
    %scan3A_221 = arith.constant 0 : i32
    %scan3A_222 = arith.constant 9 : i32
    %scan3A_223 = arith.addi %scan3A_221, %scan3A_222 : i32
    %scan3A_224 = arith.constant 1 : i32
    scf.for %scan3A_486 = %scan3A_221 to %scan3A_223 step %scan3A_224  : i32 {
      %mul3A_487 = arith.constant 2 : i32
      %mul3A_488 = arith.muli %mul3A_487, %scan3A_486 : i32
      %add3A_489 = arith.constant 1 : i32
      %add3A_490 = arith.addi %mul3A_488, %add3A_489 : i32
      %dma_wait3A_491 = arith.constant 0 : i32
      %dma_wait3A_492 = arith.constant 0 : i32
      %dma_wait3A_493 = tpu.memref_slice %arg7[%dma_wait3A_491, %dma_wait3A_492] : memref<320x128xf32, #tpu.memory_space<vmem>> -> memref<64x128xf32, #tpu.memory_space<vmem>>
      %dma_wait3A_494 = arith.constant 0 : i32
      %dma_wait3A_495 = arith.constant 0 : i32
      %dma_wait3A_496 = tpu.memref_slice %arg3[%dma_wait3A_494, %dma_wait3A_495] : memref<100000x128xf32, #tpu.memory_space<hbm>> -> memref<64x128xf32, #tpu.memory_space<hbm>>
      %dma_wait3A_497 = arith.constant 0 : i32
      %dma_wait3A_498 = arith.constant 0 : i32
      %dma_wait3A_499 = tpu.memref_slice %arg7[%dma_wait3A_497, %dma_wait3A_498] : memref<320x128xf32, #tpu.memory_space<vmem>> -> memref<64x128xf32, #tpu.memory_space<vmem>>
      %dma_wait3A_500 = arith.constant 0 : i32
      %dma_wait3A_501 = arith.constant 0 : i32
      %dma_wait3A_502 = tpu.memref_slice %arg3[%dma_wait3A_500, %dma_wait3A_501] : memref<100000x128xf32, #tpu.memory_space<hbm>> -> memref<64x128xf32, #tpu.memory_space<hbm>>
      tpu.wait_dma2 semaphore(%arg9 : memref<!tpu.dma_semaphore, #tpu.memory_space<semaphore_mem>>) src(%dma_wait3A_502 : memref<64x128xf32, #tpu.memory_space<hbm>>) dst(%dma_wait3A_499 : memref<64x128xf32, #tpu.memory_space<vmem>>)
      %dma_wait3A_503 = arith.constant 64 : i32
      %dma_wait3A_504 = arith.constant 0 : i32
      %dma_wait3A_505 = tpu.memref_slice %arg7[%dma_wait3A_503, %dma_wait3A_504] : memref<320x128xf32, #tpu.memory_space<vmem>> -> memref<64x128xf32, #tpu.memory_space<vmem>>
      %dma_wait3A_506 = arith.constant 0 : i32
      %dma_wait3A_507 = arith.constant 0 : i32
      %dma_wait3A_508 = tpu.memref_slice %arg3[%dma_wait3A_506, %dma_wait3A_507] : memref<100000x128xf32, #tpu.memory_space<hbm>> -> memref<64x128xf32, #tpu.memory_space<hbm>>
      %dma_wait3A_509 = arith.constant 64 : i32
      %dma_wait3A_510 = arith.constant 0 : i32
      %dma_wait3A_511 = tpu.memref_slice %arg7[%dma_wait3A_509, %dma_wait3A_510] : memref<320x128xf32, #tpu.memory_space<vmem>> -> memref<64x128xf32, #tpu.memory_space<vmem>>
      %dma_wait3A_512 = arith.constant 0 : i32
      %dma_wait3A_513 = arith.constant 0 : i32
      %dma_wait3A_514 = tpu.memref_slice %arg3[%dma_wait3A_512, %dma_wait3A_513] : memref<100000x128xf32, #tpu.memory_space<hbm>> -> memref<64x128xf32, #tpu.memory_space<hbm>>
      tpu.wait_dma2 semaphore(%arg9 : memref<!tpu.dma_semaphore, #tpu.memory_space<semaphore_mem>>) src(%dma_wait3A_514 : memref<64x128xf32, #tpu.memory_space<hbm>>) dst(%dma_wait3A_511 : memref<64x128xf32, #tpu.memory_space<vmem>>)
      %dma_wait3A_515 = arith.constant 128 : i32
      %dma_wait3A_516 = arith.constant 0 : i32
      %dma_wait3A_517 = tpu.memref_slice %arg7[%dma_wait3A_515, %dma_wait3A_516] : memref<320x128xf32, #tpu.memory_space<vmem>> -> memref<64x128xf32, #tpu.memory_space<vmem>>
      %dma_wait3A_518 = arith.constant 0 : i32
      %dma_wait3A_519 = arith.constant 0 : i32
      %dma_wait3A_520 = tpu.memref_slice %arg3[%dma_wait3A_518, %dma_wait3A_519] : memref<100000x128xf32, #tpu.memory_space<hbm>> -> memref<64x128xf32, #tpu.memory_space<hbm>>
      %dma_wait3A_521 = arith.constant 128 : i32
      %dma_wait3A_522 = arith.constant 0 : i32
      %dma_wait3A_523 = tpu.memref_slice %arg7[%dma_wait3A_521, %dma_wait3A_522] : memref<320x128xf32, #tpu.memory_space<vmem>> -> memref<64x128xf32, #tpu.memory_space<vmem>>
      %dma_wait3A_524 = arith.constant 0 : i32
      %dma_wait3A_525 = arith.constant 0 : i32
      %dma_wait3A_526 = tpu.memref_slice %arg3[%dma_wait3A_524, %dma_wait3A_525] : memref<100000x128xf32, #tpu.memory_space<hbm>> -> memref<64x128xf32, #tpu.memory_space<hbm>>
      tpu.wait_dma2 semaphore(%arg9 : memref<!tpu.dma_semaphore, #tpu.memory_space<semaphore_mem>>) src(%dma_wait3A_526 : memref<64x128xf32, #tpu.memory_space<hbm>>) dst(%dma_wait3A_523 : memref<64x128xf32, #tpu.memory_space<vmem>>)
      %dma_wait3A_527 = arith.constant 192 : i32
      %dma_wait3A_528 = arith.constant 0 : i32
      %dma_wait3A_529 = tpu.memref_slice %arg7[%dma_wait3A_527, %dma_wait3A_528] : memref<320x128xf32, #tpu.memory_space<vmem>> -> memref<64x128xf32, #tpu.memory_space<vmem>>
      %dma_wait3A_530 = arith.constant 0 : i32
      %dma_wait3A_531 = arith.constant 0 : i32
      %dma_wait3A_532 = tpu.memref_slice %arg3[%dma_wait3A_530, %dma_wait3A_531] : memref<100000x128xf32, #tpu.memory_space<hbm>> -> memref<64x128xf32, #tpu.memory_space<hbm>>
      %dma_wait3A_533 = arith.constant 192 : i32
      %dma_wait3A_534 = arith.constant 0 : i32
      %dma_wait3A_535 = tpu.memref_slice %arg7[%dma_wait3A_533, %dma_wait3A_534] : memref<320x128xf32, #tpu.memory_space<vmem>> -> memref<64x128xf32, #tpu.memory_space<vmem>>
      %dma_wait3A_536 = arith.constant 0 : i32
      %dma_wait3A_537 = arith.constant 0 : i32
      %dma_wait3A_538 = tpu.memref_slice %arg3[%dma_wait3A_536, %dma_wait3A_537] : memref<100000x128xf32, #tpu.memory_space<hbm>> -> memref<64x128xf32, #tpu.memory_space<hbm>>
      tpu.wait_dma2 semaphore(%arg9 : memref<!tpu.dma_semaphore, #tpu.memory_space<semaphore_mem>>) src(%dma_wait3A_538 : memref<64x128xf32, #tpu.memory_space<hbm>>) dst(%dma_wait3A_535 : memref<64x128xf32, #tpu.memory_space<vmem>>)
      %dma_wait3A_539 = arith.constant 256 : i32
      %dma_wait3A_540 = arith.constant 0 : i32
      %dma_wait3A_541 = tpu.memref_slice %arg7[%dma_wait3A_539, %dma_wait3A_540] : memref<320x128xf32, #tpu.memory_space<vmem>> -> memref<64x128xf32, #tpu.memory_space<vmem>>
      %dma_wait3A_542 = arith.constant 0 : i32
      %dma_wait3A_543 = arith.constant 0 : i32
      %dma_wait3A_544 = tpu.memref_slice %arg3[%dma_wait3A_542, %dma_wait3A_543] : memref<100000x128xf32, #tpu.memory_space<hbm>> -> memref<64x128xf32, #tpu.memory_space<hbm>>
      %dma_wait3A_545 = arith.constant 256 : i32
      %dma_wait3A_546 = arith.constant 0 : i32
      %dma_wait3A_547 = tpu.memref_slice %arg7[%dma_wait3A_545, %dma_wait3A_546] : memref<320x128xf32, #tpu.memory_space<vmem>> -> memref<64x128xf32, #tpu.memory_space<vmem>>
      %dma_wait3A_548 = arith.constant 0 : i32
      %dma_wait3A_549 = arith.constant 0 : i32
      %dma_wait3A_550 = tpu.memref_slice %arg3[%dma_wait3A_548, %dma_wait3A_549] : memref<100000x128xf32, #tpu.memory_space<hbm>> -> memref<64x128xf32, #tpu.memory_space<hbm>>
      tpu.wait_dma2 semaphore(%arg9 : memref<!tpu.dma_semaphore, #tpu.memory_space<semaphore_mem>>) src(%dma_wait3A_550 : memref<64x128xf32, #tpu.memory_space<hbm>>) dst(%dma_wait3A_547 : memref<64x128xf32, #tpu.memory_space<vmem>>)
      %mul3A_551 = arith.constant 5 : i32
      %mul3A_552 = arith.muli %add3A_490, %mul3A_551 : i32
      %add3A_553 = arith.constant 0 : i32
      %add3A_554 = arith.addi %mul3A_552, %add3A_553 : i32
      %jit3A = arith.constant 2 : i32
      %div3A = arith.divsi %add3A_554, %jit3A : i32
      %sign3A = arith.constant 0 : i32
      %sign3A_555 = arith.cmpi sgt, %add3A_554, %sign3A : i32
      %sign3A_556 = arith.extui %sign3A_555 : i1 to i32
      %sign3A_557 = arith.constant 0 : i32
      %sign3A_558 = arith.cmpi slt, %add3A_554, %sign3A_557 : i32
      %sign3A_559 = arith.extui %sign3A_558 : i1 to i32
      %sign3A_560 = arith.subi %sign3A_556, %sign3A_559 : i32
      %sign3A_561 = arith.constant 0 : i32
      %sign3A_562 = arith.cmpi sgt, %jit3A, %sign3A_561 : i32
      %sign3A_563 = arith.extui %sign3A_562 : i1 to i32
      %sign3A_564 = arith.constant 0 : i32
      %sign3A_565 = arith.cmpi slt, %jit3A, %sign3A_564 : i32
      %sign3A_566 = arith.extui %sign3A_565 : i1 to i32
      %sign3A_567 = arith.subi %sign3A_563, %sign3A_566 : i32
      %ne3A = arith.cmpi ne, %sign3A_560, %sign3A_567 : i32
      %rem3A = arith.remsi %add3A_554, %jit3A : i32
      %ne3A_568 = arith.constant 0 : i32
      %ne3A_569 = arith.cmpi ne, %rem3A, %ne3A_568 : i32
      %and3A = arith.andi %ne3A, %ne3A_569 : i1
      %sub3A = arith.constant 1 : i32
      %sub3A_570 = arith.subi %div3A, %sub3A : i32
      %select_n3A = arith.select %and3A, %sub3A_570, %div3A : i32
      %mul3A_571 = arith.constant 4096 : i32
      %mul3A_572 = arith.muli %select_n3A, %mul3A_571 : i32
      %mul3A_573 = arith.constant 128 : i32
      %mul3A_574 = arith.muli %add3A, %mul3A_573 : i32
      %add3A_575 = arith.addi %mul3A_572, %mul3A_574 : i32
      %jit3A_576 = arith.constant 2 : i32
      %eq3A = arith.constant 0 : i32
      %eq3A_577 = arith.cmpi eq, %jit3A_576, %eq3A : i32
      %jit3A_578 = arith.constant 1 : i32
      %select_n3A_579 = arith.select %eq3A_577, %jit3A_578, %jit3A_576 : i32
      %rem3A_580 = arith.remsi %add3A_554, %select_n3A_579 : i32
      %ne3A_581 = arith.constant 0 : i32
      %ne3A_582 = arith.cmpi ne, %rem3A_580, %ne3A_581 : i32
      %lt3A = arith.constant 0 : i32
      %lt3A_583 = arith.cmpi slt, %rem3A_580, %lt3A : i32
      %lt3A_584 = arith.constant 0 : i32
      %lt3A_585 = arith.cmpi slt, %select_n3A_579, %lt3A_584 : i32
      %ne3A_586 = arith.xori %lt3A_583, %lt3A_585 : i1
      %and3A_587 = arith.andi %ne3A_586, %ne3A_582 : i1
      %add3A_588 = arith.addi %rem3A_580, %select_n3A_579 : i32
      %select_n3A_589 = arith.select %and3A_587, %add3A_588, %rem3A_580 : i32
      %mul3A_590 = arith.constant 64 : i32
      %mul3A_591 = arith.muli %select_n3A_589, %mul3A_590 : i32
      %add3A_592 = arith.addi %add3A_575, %mul3A_591 : i32
      %dma_start3A_593 = arith.constant 0 : i32
      %dma_start3A_594 = arith.constant 0 : i32
      %dma_start3A_595 = tpu.memref_slice %arg7[%dma_start3A_593, %dma_start3A_594] : memref<320x128xf32, #tpu.memory_space<vmem>> -> memref<64x128xf32, #tpu.memory_space<vmem>>
      %dma_start3A_596 = arith.constant 0 : i32
      %dma_start3A_597 = tpu.memref_slice %arg4[%add3A_592, %dma_start3A_596] : memref<204800x128xf32, #tpu.memory_space<hbm>> -> memref<64x128xf32, #tpu.memory_space<hbm>>
      %dma_start3A_598 = arith.constant 0 : i32
      %dma_start3A_599 = tpu.memref_slice %arg4[%add3A_592, %dma_start3A_598] : memref<204800x128xf32, #tpu.memory_space<hbm>> -> memref<64x128xf32, #tpu.memory_space<hbm>>
      %dma_start3A_600 = arith.constant 0 : i32
      %dma_start3A_601 = arith.constant 0 : i32
      %dma_start3A_602 = tpu.memref_slice %arg7[%dma_start3A_600, %dma_start3A_601] : memref<320x128xf32, #tpu.memory_space<vmem>> -> memref<64x128xf32, #tpu.memory_space<vmem>>
      tpu.enqueue_dma source(%dma_start3A_602 : memref<64x128xf32, #tpu.memory_space<vmem>>) target(%dma_start3A_599 : memref<64x128xf32, #tpu.memory_space<hbm>>) target_semaphore(%arg11 : memref<!tpu.dma_semaphore, #tpu.memory_space<semaphore_mem>>)
      %mul3A_603 = arith.constant 5 : i32
      %mul3A_604 = arith.muli %add3A_490, %mul3A_603 : i32
      %add3A_605 = arith.constant 1 : i32
      %add3A_606 = arith.addi %mul3A_604, %add3A_605 : i32
      %jit3A_607 = arith.constant 2 : i32
      %div3A_608 = arith.divsi %add3A_606, %jit3A_607 : i32
      %sign3A_609 = arith.constant 0 : i32
      %sign3A_610 = arith.cmpi sgt, %add3A_606, %sign3A_609 : i32
      %sign3A_611 = arith.extui %sign3A_610 : i1 to i32
      %sign3A_612 = arith.constant 0 : i32
      %sign3A_613 = arith.cmpi slt, %add3A_606, %sign3A_612 : i32
      %sign3A_614 = arith.extui %sign3A_613 : i1 to i32
      %sign3A_615 = arith.subi %sign3A_611, %sign3A_614 : i32
      %sign3A_616 = arith.constant 0 : i32
      %sign3A_617 = arith.cmpi sgt, %jit3A_607, %sign3A_616 : i32
      %sign3A_618 = arith.extui %sign3A_617 : i1 to i32
      %sign3A_619 = arith.constant 0 : i32
      %sign3A_620 = arith.cmpi slt, %jit3A_607, %sign3A_619 : i32
      %sign3A_621 = arith.extui %sign3A_620 : i1 to i32
      %sign3A_622 = arith.subi %sign3A_618, %sign3A_621 : i32
      %ne3A_623 = arith.cmpi ne, %sign3A_615, %sign3A_622 : i32
      %rem3A_624 = arith.remsi %add3A_606, %jit3A_607 : i32
      %ne3A_625 = arith.constant 0 : i32
      %ne3A_626 = arith.cmpi ne, %rem3A_624, %ne3A_625 : i32
      %and3A_627 = arith.andi %ne3A_623, %ne3A_626 : i1
      %sub3A_628 = arith.constant 1 : i32
      %sub3A_629 = arith.subi %div3A_608, %sub3A_628 : i32
      %select_n3A_630 = arith.select %and3A_627, %sub3A_629, %div3A_608 : i32
      %mul3A_631 = arith.constant 4096 : i32
      %mul3A_632 = arith.muli %select_n3A_630, %mul3A_631 : i32
      %mul3A_633 = arith.constant 128 : i32
      %mul3A_634 = arith.muli %add3A, %mul3A_633 : i32
      %add3A_635 = arith.addi %mul3A_632, %mul3A_634 : i32
      %jit3A_636 = arith.constant 2 : i32
      %eq3A_637 = arith.constant 0 : i32
      %eq3A_638 = arith.cmpi eq, %jit3A_636, %eq3A_637 : i32
      %jit3A_639 = arith.constant 1 : i32
      %select_n3A_640 = arith.select %eq3A_638, %jit3A_639, %jit3A_636 : i32
      %rem3A_641 = arith.remsi %add3A_606, %select_n3A_640 : i32
      %ne3A_642 = arith.constant 0 : i32
      %ne3A_643 = arith.cmpi ne, %rem3A_641, %ne3A_642 : i32
      %lt3A_644 = arith.constant 0 : i32
      %lt3A_645 = arith.cmpi slt, %rem3A_641, %lt3A_644 : i32
      %lt3A_646 = arith.constant 0 : i32
      %lt3A_647 = arith.cmpi slt, %select_n3A_640, %lt3A_646 : i32
      %ne3A_648 = arith.xori %lt3A_645, %lt3A_647 : i1
      %and3A_649 = arith.andi %ne3A_648, %ne3A_643 : i1
      %add3A_650 = arith.addi %rem3A_641, %select_n3A_640 : i32
      %select_n3A_651 = arith.select %and3A_649, %add3A_650, %rem3A_641 : i32
      %mul3A_652 = arith.constant 64 : i32
      %mul3A_653 = arith.muli %select_n3A_651, %mul3A_652 : i32
      %add3A_654 = arith.addi %add3A_635, %mul3A_653 : i32
      %dma_start3A_655 = arith.constant 64 : i32
      %dma_start3A_656 = arith.constant 0 : i32
      %dma_start3A_657 = tpu.memref_slice %arg7[%dma_start3A_655, %dma_start3A_656] : memref<320x128xf32, #tpu.memory_space<vmem>> -> memref<64x128xf32, #tpu.memory_space<vmem>>
      %dma_start3A_658 = arith.constant 0 : i32
      %dma_start3A_659 = tpu.memref_slice %arg4[%add3A_654, %dma_start3A_658] : memref<204800x128xf32, #tpu.memory_space<hbm>> -> memref<64x128xf32, #tpu.memory_space<hbm>>
      %dma_start3A_660 = arith.constant 0 : i32
      %dma_start3A_661 = tpu.memref_slice %arg4[%add3A_654, %dma_start3A_660] : memref<204800x128xf32, #tpu.memory_space<hbm>> -> memref<64x128xf32, #tpu.memory_space<hbm>>
      %dma_start3A_662 = arith.constant 64 : i32
      %dma_start3A_663 = arith.constant 0 : i32
      %dma_start3A_664 = tpu.memref_slice %arg7[%dma_start3A_662, %dma_start3A_663] : memref<320x128xf32, #tpu.memory_space<vmem>> -> memref<64x128xf32, #tpu.memory_space<vmem>>
      tpu.enqueue_dma source(%dma_start3A_664 : memref<64x128xf32, #tpu.memory_space<vmem>>) target(%dma_start3A_661 : memref<64x128xf32, #tpu.memory_space<hbm>>) target_semaphore(%arg11 : memref<!tpu.dma_semaphore, #tpu.memory_space<semaphore_mem>>)
      %mul3A_665 = arith.constant 5 : i32
      %mul3A_666 = arith.muli %add3A_490, %mul3A_665 : i32
      %add3A_667 = arith.constant 2 : i32
      %add3A_668 = arith.addi %mul3A_666, %add3A_667 : i32
      %jit3A_669 = arith.constant 2 : i32
      %div3A_670 = arith.divsi %add3A_668, %jit3A_669 : i32
      %sign3A_671 = arith.constant 0 : i32
      %sign3A_672 = arith.cmpi sgt, %add3A_668, %sign3A_671 : i32
      %sign3A_673 = arith.extui %sign3A_672 : i1 to i32
      %sign3A_674 = arith.constant 0 : i32
      %sign3A_675 = arith.cmpi slt, %add3A_668, %sign3A_674 : i32
      %sign3A_676 = arith.extui %sign3A_675 : i1 to i32
      %sign3A_677 = arith.subi %sign3A_673, %sign3A_676 : i32
      %sign3A_678 = arith.constant 0 : i32
      %sign3A_679 = arith.cmpi sgt, %jit3A_669, %sign3A_678 : i32
      %sign3A_680 = arith.extui %sign3A_679 : i1 to i32
      %sign3A_681 = arith.constant 0 : i32
      %sign3A_682 = arith.cmpi slt, %jit3A_669, %sign3A_681 : i32
      %sign3A_683 = arith.extui %sign3A_682 : i1 to i32
      %sign3A_684 = arith.subi %sign3A_680, %sign3A_683 : i32
      %ne3A_685 = arith.cmpi ne, %sign3A_677, %sign3A_684 : i32
      %rem3A_686 = arith.remsi %add3A_668, %jit3A_669 : i32
      %ne3A_687 = arith.constant 0 : i32
      %ne3A_688 = arith.cmpi ne, %rem3A_686, %ne3A_687 : i32
      %and3A_689 = arith.andi %ne3A_685, %ne3A_688 : i1
      %sub3A_690 = arith.constant 1 : i32
      %sub3A_691 = arith.subi %div3A_670, %sub3A_690 : i32
      %select_n3A_692 = arith.select %and3A_689, %sub3A_691, %div3A_670 : i32
      %mul3A_693 = arith.constant 4096 : i32
      %mul3A_694 = arith.muli %select_n3A_692, %mul3A_693 : i32
      %mul3A_695 = arith.constant 128 : i32
      %mul3A_696 = arith.muli %add3A, %mul3A_695 : i32
      %add3A_697 = arith.addi %mul3A_694, %mul3A_696 : i32
      %jit3A_698 = arith.constant 2 : i32
      %eq3A_699 = arith.constant 0 : i32
      %eq3A_700 = arith.cmpi eq, %jit3A_698, %eq3A_699 : i32
      %jit3A_701 = arith.constant 1 : i32
      %select_n3A_702 = arith.select %eq3A_700, %jit3A_701, %jit3A_698 : i32
      %rem3A_703 = arith.remsi %add3A_668, %select_n3A_702 : i32
      %ne3A_704 = arith.constant 0 : i32
      %ne3A_705 = arith.cmpi ne, %rem3A_703, %ne3A_704 : i32
      %lt3A_706 = arith.constant 0 : i32
      %lt3A_707 = arith.cmpi slt, %rem3A_703, %lt3A_706 : i32
      %lt3A_708 = arith.constant 0 : i32
      %lt3A_709 = arith.cmpi slt, %select_n3A_702, %lt3A_708 : i32
      %ne3A_710 = arith.xori %lt3A_707, %lt3A_709 : i1
      %and3A_711 = arith.andi %ne3A_710, %ne3A_705 : i1
      %add3A_712 = arith.addi %rem3A_703, %select_n3A_702 : i32
      %select_n3A_713 = arith.select %and3A_711, %add3A_712, %rem3A_703 : i32
      %mul3A_714 = arith.constant 64 : i32
      %mul3A_715 = arith.muli %select_n3A_713, %mul3A_714 : i32
      %add3A_716 = arith.addi %add3A_697, %mul3A_715 : i32
      %dma_start3A_717 = arith.constant 128 : i32
      %dma_start3A_718 = arith.constant 0 : i32
      %dma_start3A_719 = tpu.memref_slice %arg7[%dma_start3A_717, %dma_start3A_718] : memref<320x128xf32, #tpu.memory_space<vmem>> -> memref<64x128xf32, #tpu.memory_space<vmem>>
      %dma_start3A_720 = arith.constant 0 : i32
      %dma_start3A_721 = tpu.memref_slice %arg4[%add3A_716, %dma_start3A_720] : memref<204800x128xf32, #tpu.memory_space<hbm>> -> memref<64x128xf32, #tpu.memory_space<hbm>>
      %dma_start3A_722 = arith.constant 0 : i32
      %dma_start3A_723 = tpu.memref_slice %arg4[%add3A_716, %dma_start3A_722] : memref<204800x128xf32, #tpu.memory_space<hbm>> -> memref<64x128xf32, #tpu.memory_space<hbm>>
      %dma_start3A_724 = arith.constant 128 : i32
      %dma_start3A_725 = arith.constant 0 : i32
      %dma_start3A_726 = tpu.memref_slice %arg7[%dma_start3A_724, %dma_start3A_725] : memref<320x128xf32, #tpu.memory_space<vmem>> -> memref<64x128xf32, #tpu.memory_space<vmem>>
      tpu.enqueue_dma source(%dma_start3A_726 : memref<64x128xf32, #tpu.memory_space<vmem>>) target(%dma_start3A_723 : memref<64x128xf32, #tpu.memory_space<hbm>>) target_semaphore(%arg11 : memref<!tpu.dma_semaphore, #tpu.memory_space<semaphore_mem>>)
      %mul3A_727 = arith.constant 5 : i32
      %mul3A_728 = arith.muli %add3A_490, %mul3A_727 : i32
      %add3A_729 = arith.constant 3 : i32
      %add3A_730 = arith.addi %mul3A_728, %add3A_729 : i32
      %jit3A_731 = arith.constant 2 : i32
      %div3A_732 = arith.divsi %add3A_730, %jit3A_731 : i32
      %sign3A_733 = arith.constant 0 : i32
      %sign3A_734 = arith.cmpi sgt, %add3A_730, %sign3A_733 : i32
      %sign3A_735 = arith.extui %sign3A_734 : i1 to i32
      %sign3A_736 = arith.constant 0 : i32
      %sign3A_737 = arith.cmpi slt, %add3A_730, %sign3A_736 : i32
      %sign3A_738 = arith.extui %sign3A_737 : i1 to i32
      %sign3A_739 = arith.subi %sign3A_735, %sign3A_738 : i32
      %sign3A_740 = arith.constant 0 : i32
      %sign3A_741 = arith.cmpi sgt, %jit3A_731, %sign3A_740 : i32
      %sign3A_742 = arith.extui %sign3A_741 : i1 to i32
      %sign3A_743 = arith.constant 0 : i32
      %sign3A_744 = arith.cmpi slt, %jit3A_731, %sign3A_743 : i32
      %sign3A_745 = arith.extui %sign3A_744 : i1 to i32
      %sign3A_746 = arith.subi %sign3A_742, %sign3A_745 : i32
      %ne3A_747 = arith.cmpi ne, %sign3A_739, %sign3A_746 : i32
      %rem3A_748 = arith.remsi %add3A_730, %jit3A_731 : i32
      %ne3A_749 = arith.constant 0 : i32
      %ne3A_750 = arith.cmpi ne, %rem3A_748, %ne3A_749 : i32
      %and3A_751 = arith.andi %ne3A_747, %ne3A_750 : i1
      %sub3A_752 = arith.constant 1 : i32
      %sub3A_753 = arith.subi %div3A_732, %sub3A_752 : i32
      %select_n3A_754 = arith.select %and3A_751, %sub3A_753, %div3A_732 : i32
      %mul3A_755 = arith.constant 4096 : i32
      %mul3A_756 = arith.muli %select_n3A_754, %mul3A_755 : i32
      %mul3A_757 = arith.constant 128 : i32
      %mul3A_758 = arith.muli %add3A, %mul3A_757 : i32
      %add3A_759 = arith.addi %mul3A_756, %mul3A_758 : i32
      %jit3A_760 = arith.constant 2 : i32
      %eq3A_761 = arith.constant 0 : i32
      %eq3A_762 = arith.cmpi eq, %jit3A_760, %eq3A_761 : i32
      %jit3A_763 = arith.constant 1 : i32
      %select_n3A_764 = arith.select %eq3A_762, %jit3A_763, %jit3A_760 : i32
      %rem3A_765 = arith.remsi %add3A_730, %select_n3A_764 : i32
      %ne3A_766 = arith.constant 0 : i32
      %ne3A_767 = arith.cmpi ne, %rem3A_765, %ne3A_766 : i32
      %lt3A_768 = arith.constant 0 : i32
      %lt3A_769 = arith.cmpi slt, %rem3A_765, %lt3A_768 : i32
      %lt3A_770 = arith.constant 0 : i32
      %lt3A_771 = arith.cmpi slt, %select_n3A_764, %lt3A_770 : i32
      %ne3A_772 = arith.xori %lt3A_769, %lt3A_771 : i1
      %and3A_773 = arith.andi %ne3A_772, %ne3A_767 : i1
      %add3A_774 = arith.addi %rem3A_765, %select_n3A_764 : i32
      %select_n3A_775 = arith.select %and3A_773, %add3A_774, %rem3A_765 : i32
      %mul3A_776 = arith.constant 64 : i32
      %mul3A_777 = arith.muli %select_n3A_775, %mul3A_776 : i32
      %add3A_778 = arith.addi %add3A_759, %mul3A_777 : i32
      %dma_start3A_779 = arith.constant 192 : i32
      %dma_start3A_780 = arith.constant 0 : i32
      %dma_start3A_781 = tpu.memref_slice %arg7[%dma_start3A_779, %dma_start3A_780] : memref<320x128xf32, #tpu.memory_space<vmem>> -> memref<64x128xf32, #tpu.memory_space<vmem>>
      %dma_start3A_782 = arith.constant 0 : i32
      %dma_start3A_783 = tpu.memref_slice %arg4[%add3A_778, %dma_start3A_782] : memref<204800x128xf32, #tpu.memory_space<hbm>> -> memref<64x128xf32, #tpu.memory_space<hbm>>
      %dma_start3A_784 = arith.constant 0 : i32
      %dma_start3A_785 = tpu.memref_slice %arg4[%add3A_778, %dma_start3A_784] : memref<204800x128xf32, #tpu.memory_space<hbm>> -> memref<64x128xf32, #tpu.memory_space<hbm>>
      %dma_start3A_786 = arith.constant 192 : i32
      %dma_start3A_787 = arith.constant 0 : i32
      %dma_start3A_788 = tpu.memref_slice %arg7[%dma_start3A_786, %dma_start3A_787] : memref<320x128xf32, #tpu.memory_space<vmem>> -> memref<64x128xf32, #tpu.memory_space<vmem>>
      tpu.enqueue_dma source(%dma_start3A_788 : memref<64x128xf32, #tpu.memory_space<vmem>>) target(%dma_start3A_785 : memref<64x128xf32, #tpu.memory_space<hbm>>) target_semaphore(%arg11 : memref<!tpu.dma_semaphore, #tpu.memory_space<semaphore_mem>>)
      %mul3A_789 = arith.constant 5 : i32
      %mul3A_790 = arith.muli %add3A_490, %mul3A_789 : i32
      %add3A_791 = arith.constant 4 : i32
      %add3A_792 = arith.addi %mul3A_790, %add3A_791 : i32
      %jit3A_793 = arith.constant 2 : i32
      %div3A_794 = arith.divsi %add3A_792, %jit3A_793 : i32
      %sign3A_795 = arith.constant 0 : i32
      %sign3A_796 = arith.cmpi sgt, %add3A_792, %sign3A_795 : i32
      %sign3A_797 = arith.extui %sign3A_796 : i1 to i32
      %sign3A_798 = arith.constant 0 : i32
      %sign3A_799 = arith.cmpi slt, %add3A_792, %sign3A_798 : i32
      %sign3A_800 = arith.extui %sign3A_799 : i1 to i32
      %sign3A_801 = arith.subi %sign3A_797, %sign3A_800 : i32
      %sign3A_802 = arith.constant 0 : i32
      %sign3A_803 = arith.cmpi sgt, %jit3A_793, %sign3A_802 : i32
      %sign3A_804 = arith.extui %sign3A_803 : i1 to i32
      %sign3A_805 = arith.constant 0 : i32
      %sign3A_806 = arith.cmpi slt, %jit3A_793, %sign3A_805 : i32
      %sign3A_807 = arith.extui %sign3A_806 : i1 to i32
      %sign3A_808 = arith.subi %sign3A_804, %sign3A_807 : i32
      %ne3A_809 = arith.cmpi ne, %sign3A_801, %sign3A_808 : i32
      %rem3A_810 = arith.remsi %add3A_792, %jit3A_793 : i32
      %ne3A_811 = arith.constant 0 : i32
      %ne3A_812 = arith.cmpi ne, %rem3A_810, %ne3A_811 : i32
      %and3A_813 = arith.andi %ne3A_809, %ne3A_812 : i1
      %sub3A_814 = arith.constant 1 : i32
      %sub3A_815 = arith.subi %div3A_794, %sub3A_814 : i32
      %select_n3A_816 = arith.select %and3A_813, %sub3A_815, %div3A_794 : i32
      %mul3A_817 = arith.constant 4096 : i32
      %mul3A_818 = arith.muli %select_n3A_816, %mul3A_817 : i32
      %mul3A_819 = arith.constant 128 : i32
      %mul3A_820 = arith.muli %add3A, %mul3A_819 : i32
      %add3A_821 = arith.addi %mul3A_818, %mul3A_820 : i32
      %jit3A_822 = arith.constant 2 : i32
      %eq3A_823 = arith.constant 0 : i32
      %eq3A_824 = arith.cmpi eq, %jit3A_822, %eq3A_823 : i32
      %jit3A_825 = arith.constant 1 : i32
      %select_n3A_826 = arith.select %eq3A_824, %jit3A_825, %jit3A_822 : i32
      %rem3A_827 = arith.remsi %add3A_792, %select_n3A_826 : i32
      %ne3A_828 = arith.constant 0 : i32
      %ne3A_829 = arith.cmpi ne, %rem3A_827, %ne3A_828 : i32
      %lt3A_830 = arith.constant 0 : i32
      %lt3A_831 = arith.cmpi slt, %rem3A_827, %lt3A_830 : i32
      %lt3A_832 = arith.constant 0 : i32
      %lt3A_833 = arith.cmpi slt, %select_n3A_826, %lt3A_832 : i32
      %ne3A_834 = arith.xori %lt3A_831, %lt3A_833 : i1
      %and3A_835 = arith.andi %ne3A_834, %ne3A_829 : i1
      %add3A_836 = arith.addi %rem3A_827, %select_n3A_826 : i32
      %select_n3A_837 = arith.select %and3A_835, %add3A_836, %rem3A_827 : i32
      %mul3A_838 = arith.constant 64 : i32
      %mul3A_839 = arith.muli %select_n3A_837, %mul3A_838 : i32
      %add3A_840 = arith.addi %add3A_821, %mul3A_839 : i32
      %dma_start3A_841 = arith.constant 256 : i32
      %dma_start3A_842 = arith.constant 0 : i32
      %dma_start3A_843 = tpu.memref_slice %arg7[%dma_start3A_841, %dma_start3A_842] : memref<320x128xf32, #tpu.memory_space<vmem>> -> memref<64x128xf32, #tpu.memory_space<vmem>>
      %dma_start3A_844 = arith.constant 0 : i32
      %dma_start3A_845 = tpu.memref_slice %arg4[%add3A_840, %dma_start3A_844] : memref<204800x128xf32, #tpu.memory_space<hbm>> -> memref<64x128xf32, #tpu.memory_space<hbm>>
      %dma_start3A_846 = arith.constant 0 : i32
      %dma_start3A_847 = tpu.memref_slice %arg4[%add3A_840, %dma_start3A_846] : memref<204800x128xf32, #tpu.memory_space<hbm>> -> memref<64x128xf32, #tpu.memory_space<hbm>>
      %dma_start3A_848 = arith.constant 256 : i32
      %dma_start3A_849 = arith.constant 0 : i32
      %dma_start3A_850 = tpu.memref_slice %arg7[%dma_start3A_848, %dma_start3A_849] : memref<320x128xf32, #tpu.memory_space<vmem>> -> memref<64x128xf32, #tpu.memory_space<vmem>>
      tpu.enqueue_dma source(%dma_start3A_850 : memref<64x128xf32, #tpu.memory_space<vmem>>) target(%dma_start3A_847 : memref<64x128xf32, #tpu.memory_space<hbm>>) target_semaphore(%arg11 : memref<!tpu.dma_semaphore, #tpu.memory_space<semaphore_mem>>)
      %dma_wait3A_851 = arith.constant 0 : i32
      %dma_wait3A_852 = arith.constant 0 : i32
      %dma_wait3A_853 = tpu.memref_slice %arg6[%dma_wait3A_851, %dma_wait3A_852] : memref<320x128xf32, #tpu.memory_space<vmem>> -> memref<64x128xf32, #tpu.memory_space<vmem>>
      %dma_wait3A_854 = arith.constant 0 : i32
      %dma_wait3A_855 = arith.constant 0 : i32
      %dma_wait3A_856 = tpu.memref_slice %arg4[%dma_wait3A_854, %dma_wait3A_855] : memref<204800x128xf32, #tpu.memory_space<hbm>> -> memref<64x128xf32, #tpu.memory_space<hbm>>
      %dma_wait3A_857 = arith.constant 0 : i32
      %dma_wait3A_858 = arith.constant 0 : i32
      %dma_wait3A_859 = tpu.memref_slice %arg4[%dma_wait3A_857, %dma_wait3A_858] : memref<204800x128xf32, #tpu.memory_space<hbm>> -> memref<64x128xf32, #tpu.memory_space<hbm>>
      %dma_wait3A_860 = arith.constant 0 : i32
      %dma_wait3A_861 = arith.constant 0 : i32
      %dma_wait3A_862 = tpu.memref_slice %arg6[%dma_wait3A_860, %dma_wait3A_861] : memref<320x128xf32, #tpu.memory_space<vmem>> -> memref<64x128xf32, #tpu.memory_space<vmem>>
      tpu.wait_dma2 semaphore(%arg10 : memref<!tpu.dma_semaphore, #tpu.memory_space<semaphore_mem>>) src(%dma_wait3A_862 : memref<64x128xf32, #tpu.memory_space<vmem>>) dst(%dma_wait3A_859 : memref<64x128xf32, #tpu.memory_space<hbm>>)
      %dma_wait3A_863 = arith.constant 64 : i32
      %dma_wait3A_864 = arith.constant 0 : i32
      %dma_wait3A_865 = tpu.memref_slice %arg6[%dma_wait3A_863, %dma_wait3A_864] : memref<320x128xf32, #tpu.memory_space<vmem>> -> memref<64x128xf32, #tpu.memory_space<vmem>>
      %dma_wait3A_866 = arith.constant 0 : i32
      %dma_wait3A_867 = arith.constant 0 : i32
      %dma_wait3A_868 = tpu.memref_slice %arg4[%dma_wait3A_866, %dma_wait3A_867] : memref<204800x128xf32, #tpu.memory_space<hbm>> -> memref<64x128xf32, #tpu.memory_space<hbm>>
      %dma_wait3A_869 = arith.constant 0 : i32
      %dma_wait3A_870 = arith.constant 0 : i32
      %dma_wait3A_871 = tpu.memref_slice %arg4[%dma_wait3A_869, %dma_wait3A_870] : memref<204800x128xf32, #tpu.memory_space<hbm>> -> memref<64x128xf32, #tpu.memory_space<hbm>>
      %dma_wait3A_872 = arith.constant 64 : i32
      %dma_wait3A_873 = arith.constant 0 : i32
      %dma_wait3A_874 = tpu.memref_slice %arg6[%dma_wait3A_872, %dma_wait3A_873] : memref<320x128xf32, #tpu.memory_space<vmem>> -> memref<64x128xf32, #tpu.memory_space<vmem>>
      tpu.wait_dma2 semaphore(%arg10 : memref<!tpu.dma_semaphore, #tpu.memory_space<semaphore_mem>>) src(%dma_wait3A_874 : memref<64x128xf32, #tpu.memory_space<vmem>>) dst(%dma_wait3A_871 : memref<64x128xf32, #tpu.memory_space<hbm>>)
      %dma_wait3A_875 = arith.constant 128 : i32
      %dma_wait3A_876 = arith.constant 0 : i32
      %dma_wait3A_877 = tpu.memref_slice %arg6[%dma_wait3A_875, %dma_wait3A_876] : memref<320x128xf32, #tpu.memory_space<vmem>> -> memref<64x128xf32, #tpu.memory_space<vmem>>
      %dma_wait3A_878 = arith.constant 0 : i32
      %dma_wait3A_879 = arith.constant 0 : i32
      %dma_wait3A_880 = tpu.memref_slice %arg4[%dma_wait3A_878, %dma_wait3A_879] : memref<204800x128xf32, #tpu.memory_space<hbm>> -> memref<64x128xf32, #tpu.memory_space<hbm>>
      %dma_wait3A_881 = arith.constant 0 : i32
      %dma_wait3A_882 = arith.constant 0 : i32
      %dma_wait3A_883 = tpu.memref_slice %arg4[%dma_wait3A_881, %dma_wait3A_882] : memref<204800x128xf32, #tpu.memory_space<hbm>> -> memref<64x128xf32, #tpu.memory_space<hbm>>
      %dma_wait3A_884 = arith.constant 128 : i32
      %dma_wait3A_885 = arith.constant 0 : i32
      %dma_wait3A_886 = tpu.memref_slice %arg6[%dma_wait3A_884, %dma_wait3A_885] : memref<320x128xf32, #tpu.memory_space<vmem>> -> memref<64x128xf32, #tpu.memory_space<vmem>>
      tpu.wait_dma2 semaphore(%arg10 : memref<!tpu.dma_semaphore, #tpu.memory_space<semaphore_mem>>) src(%dma_wait3A_886 : memref<64x128xf32, #tpu.memory_space<vmem>>) dst(%dma_wait3A_883 : memref<64x128xf32, #tpu.memory_space<hbm>>)
      %dma_wait3A_887 = arith.constant 192 : i32
      %dma_wait3A_888 = arith.constant 0 : i32
      %dma_wait3A_889 = tpu.memref_slice %arg6[%dma_wait3A_887, %dma_wait3A_888] : memref<320x128xf32, #tpu.memory_space<vmem>> -> memref<64x128xf32, #tpu.memory_space<vmem>>
      %dma_wait3A_890 = arith.constant 0 : i32
      %dma_wait3A_891 = arith.constant 0 : i32
      %dma_wait3A_892 = tpu.memref_slice %arg4[%dma_wait3A_890, %dma_wait3A_891] : memref<204800x128xf32, #tpu.memory_space<hbm>> -> memref<64x128xf32, #tpu.memory_space<hbm>>
      %dma_wait3A_893 = arith.constant 0 : i32
      %dma_wait3A_894 = arith.constant 0 : i32
      %dma_wait3A_895 = tpu.memref_slice %arg4[%dma_wait3A_893, %dma_wait3A_894] : memref<204800x128xf32, #tpu.memory_space<hbm>> -> memref<64x128xf32, #tpu.memory_space<hbm>>
      %dma_wait3A_896 = arith.constant 192 : i32
      %dma_wait3A_897 = arith.constant 0 : i32
      %dma_wait3A_898 = tpu.memref_slice %arg6[%dma_wait3A_896, %dma_wait3A_897] : memref<320x128xf32, #tpu.memory_space<vmem>> -> memref<64x128xf32, #tpu.memory_space<vmem>>
      tpu.wait_dma2 semaphore(%arg10 : memref<!tpu.dma_semaphore, #tpu.memory_space<semaphore_mem>>) src(%dma_wait3A_898 : memref<64x128xf32, #tpu.memory_space<vmem>>) dst(%dma_wait3A_895 : memref<64x128xf32, #tpu.memory_space<hbm>>)
      %dma_wait3A_899 = arith.constant 256 : i32
      %dma_wait3A_900 = arith.constant 0 : i32
      %dma_wait3A_901 = tpu.memref_slice %arg6[%dma_wait3A_899, %dma_wait3A_900] : memref<320x128xf32, #tpu.memory_space<vmem>> -> memref<64x128xf32, #tpu.memory_space<vmem>>
      %dma_wait3A_902 = arith.constant 0 : i32
      %dma_wait3A_903 = arith.constant 0 : i32
      %dma_wait3A_904 = tpu.memref_slice %arg4[%dma_wait3A_902, %dma_wait3A_903] : memref<204800x128xf32, #tpu.memory_space<hbm>> -> memref<64x128xf32, #tpu.memory_space<hbm>>
      %dma_wait3A_905 = arith.constant 0 : i32
      %dma_wait3A_906 = arith.constant 0 : i32
      %dma_wait3A_907 = tpu.memref_slice %arg4[%dma_wait3A_905, %dma_wait3A_906] : memref<204800x128xf32, #tpu.memory_space<hbm>> -> memref<64x128xf32, #tpu.memory_space<hbm>>
      %dma_wait3A_908 = arith.constant 256 : i32
      %dma_wait3A_909 = arith.constant 0 : i32
      %dma_wait3A_910 = tpu.memref_slice %arg6[%dma_wait3A_908, %dma_wait3A_909] : memref<320x128xf32, #tpu.memory_space<vmem>> -> memref<64x128xf32, #tpu.memory_space<vmem>>
      tpu.wait_dma2 semaphore(%arg10 : memref<!tpu.dma_semaphore, #tpu.memory_space<semaphore_mem>>) src(%dma_wait3A_910 : memref<64x128xf32, #tpu.memory_space<vmem>>) dst(%dma_wait3A_907 : memref<64x128xf32, #tpu.memory_space<hbm>>)
      %add3A_911 = arith.constant 1 : i32
      %add3A_912 = arith.addi %add3A_490, %add3A_911 : i32
      %mul3A_913 = arith.constant 5 : i32
      %mul3A_914 = arith.muli %add3A_912, %mul3A_913 : i32
      %add3A_915 = arith.constant 0 : i32
      %add3A_916 = arith.addi %mul3A_914, %add3A_915 : i32
      %mul3A_917 = arith.constant 64 : i32
      %mul3A_918 = arith.muli %add3A_916, %mul3A_917 : i32
      %dma_start3A_919 = arith.constant 0 : i32
      %dma_start3A_920 = arith.constant 0 : i32
      %dma_start3A_921 = tpu.memref_slice %arg6[%dma_start3A_919, %dma_start3A_920] : memref<320x128xf32, #tpu.memory_space<vmem>> -> memref<64x128xf32, #tpu.memory_space<vmem>>
      %dma_start3A_922 = tpu.memref_slice %arg5[%mul3A_918] : memref<6400xi32, #tpu.memory_space<vmem>> -> memref<64xi32, #tpu.memory_space<vmem>>
      %dma_start3A_923 = arith.constant 0 : i32
      %dma_start3A_924 = arith.constant 0 : i32
      %dma_start3A_925 = tpu.memref_slice %arg3[%dma_start3A_923, %dma_start3A_924] : memref<100000x128xf32, #tpu.memory_space<hbm>> -> memref<100000x128xf32, #tpu.memory_space<hbm>>
      tpu.enqueue_indirect_dma source(%dma_start3A_925 : memref<100000x128xf32, #tpu.memory_space<hbm>>) target(%dma_start3A_921 : memref<64x128xf32, #tpu.memory_space<vmem>>) offsets(%dma_start3A_922 : memref<64xi32, #tpu.memory_space<vmem>>) semaphore(%arg8 : memref<!tpu.dma_semaphore, #tpu.memory_space<semaphore_mem>>)
      %mul3A_926 = arith.constant 5 : i32
      %mul3A_927 = arith.muli %add3A_912, %mul3A_926 : i32
      %add3A_928 = arith.constant 1 : i32
      %add3A_929 = arith.addi %mul3A_927, %add3A_928 : i32
      %mul3A_930 = arith.constant 64 : i32
      %mul3A_931 = arith.muli %add3A_929, %mul3A_930 : i32
      %dma_start3A_932 = arith.constant 64 : i32
      %dma_start3A_933 = arith.constant 0 : i32
      %dma_start3A_934 = tpu.memref_slice %arg6[%dma_start3A_932, %dma_start3A_933] : memref<320x128xf32, #tpu.memory_space<vmem>> -> memref<64x128xf32, #tpu.memory_space<vmem>>
      %dma_start3A_935 = tpu.memref_slice %arg5[%mul3A_931] : memref<6400xi32, #tpu.memory_space<vmem>> -> memref<64xi32, #tpu.memory_space<vmem>>
      %dma_start3A_936 = arith.constant 0 : i32
      %dma_start3A_937 = arith.constant 0 : i32
      %dma_start3A_938 = tpu.memref_slice %arg3[%dma_start3A_936, %dma_start3A_937] : memref<100000x128xf32, #tpu.memory_space<hbm>> -> memref<100000x128xf32, #tpu.memory_space<hbm>>
      tpu.enqueue_indirect_dma source(%dma_start3A_938 : memref<100000x128xf32, #tpu.memory_space<hbm>>) target(%dma_start3A_934 : memref<64x128xf32, #tpu.memory_space<vmem>>) offsets(%dma_start3A_935 : memref<64xi32, #tpu.memory_space<vmem>>) semaphore(%arg8 : memref<!tpu.dma_semaphore, #tpu.memory_space<semaphore_mem>>)
      %mul3A_939 = arith.constant 5 : i32
      %mul3A_940 = arith.muli %add3A_912, %mul3A_939 : i32
      %add3A_941 = arith.constant 2 : i32
      %add3A_942 = arith.addi %mul3A_940, %add3A_941 : i32
      %mul3A_943 = arith.constant 64 : i32
      %mul3A_944 = arith.muli %add3A_942, %mul3A_943 : i32
      %dma_start3A_945 = arith.constant 128 : i32
      %dma_start3A_946 = arith.constant 0 : i32
      %dma_start3A_947 = tpu.memref_slice %arg6[%dma_start3A_945, %dma_start3A_946] : memref<320x128xf32, #tpu.memory_space<vmem>> -> memref<64x128xf32, #tpu.memory_space<vmem>>
      %dma_start3A_948 = tpu.memref_slice %arg5[%mul3A_944] : memref<6400xi32, #tpu.memory_space<vmem>> -> memref<64xi32, #tpu.memory_space<vmem>>
      %dma_start3A_949 = arith.constant 0 : i32
      %dma_start3A_950 = arith.constant 0 : i32
      %dma_start3A_951 = tpu.memref_slice %arg3[%dma_start3A_949, %dma_start3A_950] : memref<100000x128xf32, #tpu.memory_space<hbm>> -> memref<100000x128xf32, #tpu.memory_space<hbm>>
      tpu.enqueue_indirect_dma source(%dma_start3A_951 : memref<100000x128xf32, #tpu.memory_space<hbm>>) target(%dma_start3A_947 : memref<64x128xf32, #tpu.memory_space<vmem>>) offsets(%dma_start3A_948 : memref<64xi32, #tpu.memory_space<vmem>>) semaphore(%arg8 : memref<!tpu.dma_semaphore, #tpu.memory_space<semaphore_mem>>)
      %mul3A_952 = arith.constant 5 : i32
      %mul3A_953 = arith.muli %add3A_912, %mul3A_952 : i32
      %add3A_954 = arith.constant 3 : i32
      %add3A_955 = arith.addi %mul3A_953, %add3A_954 : i32
      %mul3A_956 = arith.constant 64 : i32
      %mul3A_957 = arith.muli %add3A_955, %mul3A_956 : i32
      %dma_start3A_958 = arith.constant 192 : i32
      %dma_start3A_959 = arith.constant 0 : i32
      %dma_start3A_960 = tpu.memref_slice %arg6[%dma_start3A_958, %dma_start3A_959] : memref<320x128xf32, #tpu.memory_space<vmem>> -> memref<64x128xf32, #tpu.memory_space<vmem>>
      %dma_start3A_961 = tpu.memref_slice %arg5[%mul3A_957] : memref<6400xi32, #tpu.memory_space<vmem>> -> memref<64xi32, #tpu.memory_space<vmem>>
      %dma_start3A_962 = arith.constant 0 : i32
      %dma_start3A_963 = arith.constant 0 : i32
      %dma_start3A_964 = tpu.memref_slice %arg3[%dma_start3A_962, %dma_start3A_963] : memref<100000x128xf32, #tpu.memory_space<hbm>> -> memref<100000x128xf32, #tpu.memory_space<hbm>>
      tpu.enqueue_indirect_dma source(%dma_start3A_964 : memref<100000x128xf32, #tpu.memory_space<hbm>>) target(%dma_start3A_960 : memref<64x128xf32, #tpu.memory_space<vmem>>) offsets(%dma_start3A_961 : memref<64xi32, #tpu.memory_space<vmem>>) semaphore(%arg8 : memref<!tpu.dma_semaphore, #tpu.memory_space<semaphore_mem>>)
      %mul3A_965 = arith.constant 5 : i32
      %mul3A_966 = arith.muli %add3A_912, %mul3A_965 : i32
      %add3A_967 = arith.constant 4 : i32
      %add3A_968 = arith.addi %mul3A_966, %add3A_967 : i32
      %mul3A_969 = arith.constant 64 : i32
      %mul3A_970 = arith.muli %add3A_968, %mul3A_969 : i32
      %dma_start3A_971 = arith.constant 256 : i32
      %dma_start3A_972 = arith.constant 0 : i32
      %dma_start3A_973 = tpu.memref_slice %arg6[%dma_start3A_971, %dma_start3A_972] : memref<320x128xf32, #tpu.memory_space<vmem>> -> memref<64x128xf32, #tpu.memory_space<vmem>>
      %dma_start3A_974 = tpu.memref_slice %arg5[%mul3A_970] : memref<6400xi32, #tpu.memory_space<vmem>> -> memref<64xi32, #tpu.memory_space<vmem>>
      %dma_start3A_975 = arith.constant 0 : i32
      %dma_start3A_976 = arith.constant 0 : i32
      %dma_start3A_977 = tpu.memref_slice %arg3[%dma_start3A_975, %dma_start3A_976] : memref<100000x128xf32, #tpu.memory_space<hbm>> -> memref<100000x128xf32, #tpu.memory_space<hbm>>
      tpu.enqueue_indirect_dma source(%dma_start3A_977 : memref<100000x128xf32, #tpu.memory_space<hbm>>) target(%dma_start3A_973 : memref<64x128xf32, #tpu.memory_space<vmem>>) offsets(%dma_start3A_974 : memref<64xi32, #tpu.memory_space<vmem>>) semaphore(%arg8 : memref<!tpu.dma_semaphore, #tpu.memory_space<semaphore_mem>>)
      %dma_wait3A_978 = arith.constant 0 : i32
      %dma_wait3A_979 = arith.constant 0 : i32
      %dma_wait3A_980 = tpu.memref_slice %arg6[%dma_wait3A_978, %dma_wait3A_979] : memref<320x128xf32, #tpu.memory_space<vmem>> -> memref<64x128xf32, #tpu.memory_space<vmem>>
      %dma_wait3A_981 = arith.constant 0 : i32
      %dma_wait3A_982 = arith.constant 0 : i32
      %dma_wait3A_983 = tpu.memref_slice %arg3[%dma_wait3A_981, %dma_wait3A_982] : memref<100000x128xf32, #tpu.memory_space<hbm>> -> memref<64x128xf32, #tpu.memory_space<hbm>>
      %dma_wait3A_984 = arith.constant 0 : i32
      %dma_wait3A_985 = arith.constant 0 : i32
      %dma_wait3A_986 = tpu.memref_slice %arg6[%dma_wait3A_984, %dma_wait3A_985] : memref<320x128xf32, #tpu.memory_space<vmem>> -> memref<64x128xf32, #tpu.memory_space<vmem>>
      %dma_wait3A_987 = arith.constant 0 : i32
      %dma_wait3A_988 = arith.constant 0 : i32
      %dma_wait3A_989 = tpu.memref_slice %arg3[%dma_wait3A_987, %dma_wait3A_988] : memref<100000x128xf32, #tpu.memory_space<hbm>> -> memref<64x128xf32, #tpu.memory_space<hbm>>
      tpu.wait_dma2 semaphore(%arg8 : memref<!tpu.dma_semaphore, #tpu.memory_space<semaphore_mem>>) src(%dma_wait3A_989 : memref<64x128xf32, #tpu.memory_space<hbm>>) dst(%dma_wait3A_986 : memref<64x128xf32, #tpu.memory_space<vmem>>)
      %dma_wait3A_990 = arith.constant 64 : i32
      %dma_wait3A_991 = arith.constant 0 : i32
      %dma_wait3A_992 = tpu.memref_slice %arg6[%dma_wait3A_990, %dma_wait3A_991] : memref<320x128xf32, #tpu.memory_space<vmem>> -> memref<64x128xf32, #tpu.memory_space<vmem>>
      %dma_wait3A_993 = arith.constant 0 : i32
      %dma_wait3A_994 = arith.constant 0 : i32
      %dma_wait3A_995 = tpu.memref_slice %arg3[%dma_wait3A_993, %dma_wait3A_994] : memref<100000x128xf32, #tpu.memory_space<hbm>> -> memref<64x128xf32, #tpu.memory_space<hbm>>
      %dma_wait3A_996 = arith.constant 64 : i32
      %dma_wait3A_997 = arith.constant 0 : i32
      %dma_wait3A_998 = tpu.memref_slice %arg6[%dma_wait3A_996, %dma_wait3A_997] : memref<320x128xf32, #tpu.memory_space<vmem>> -> memref<64x128xf32, #tpu.memory_space<vmem>>
      %dma_wait3A_999 = arith.constant 0 : i32
      %dma_wait3A_1000 = arith.constant 0 : i32
      %dma_wait3A_1001 = tpu.memref_slice %arg3[%dma_wait3A_999, %dma_wait3A_1000] : memref<100000x128xf32, #tpu.memory_space<hbm>> -> memref<64x128xf32, #tpu.memory_space<hbm>>
      tpu.wait_dma2 semaphore(%arg8 : memref<!tpu.dma_semaphore, #tpu.memory_space<semaphore_mem>>) src(%dma_wait3A_1001 : memref<64x128xf32, #tpu.memory_space<hbm>>) dst(%dma_wait3A_998 : memref<64x128xf32, #tpu.memory_space<vmem>>)
      %dma_wait3A_1002 = arith.constant 128 : i32
      %dma_wait3A_1003 = arith.constant 0 : i32
      %dma_wait3A_1004 = tpu.memref_slice %arg6[%dma_wait3A_1002, %dma_wait3A_1003] : memref<320x128xf32, #tpu.memory_space<vmem>> -> memref<64x128xf32, #tpu.memory_space<vmem>>
      %dma_wait3A_1005 = arith.constant 0 : i32
      %dma_wait3A_1006 = arith.constant 0 : i32
      %dma_wait3A_1007 = tpu.memref_slice %arg3[%dma_wait3A_1005, %dma_wait3A_1006] : memref<100000x128xf32, #tpu.memory_space<hbm>> -> memref<64x128xf32, #tpu.memory_space<hbm>>
      %dma_wait3A_1008 = arith.constant 128 : i32
      %dma_wait3A_1009 = arith.constant 0 : i32
      %dma_wait3A_1010 = tpu.memref_slice %arg6[%dma_wait3A_1008, %dma_wait3A_1009] : memref<320x128xf32, #tpu.memory_space<vmem>> -> memref<64x128xf32, #tpu.memory_space<vmem>>
      %dma_wait3A_1011 = arith.constant 0 : i32
      %dma_wait3A_1012 = arith.constant 0 : i32
      %dma_wait3A_1013 = tpu.memref_slice %arg3[%dma_wait3A_1011, %dma_wait3A_1012] : memref<100000x128xf32, #tpu.memory_space<hbm>> -> memref<64x128xf32, #tpu.memory_space<hbm>>
      tpu.wait_dma2 semaphore(%arg8 : memref<!tpu.dma_semaphore, #tpu.memory_space<semaphore_mem>>) src(%dma_wait3A_1013 : memref<64x128xf32, #tpu.memory_space<hbm>>) dst(%dma_wait3A_1010 : memref<64x128xf32, #tpu.memory_space<vmem>>)
      %dma_wait3A_1014 = arith.constant 192 : i32
      %dma_wait3A_1015 = arith.constant 0 : i32
      %dma_wait3A_1016 = tpu.memref_slice %arg6[%dma_wait3A_1014, %dma_wait3A_1015] : memref<320x128xf32, #tpu.memory_space<vmem>> -> memref<64x128xf32, #tpu.memory_space<vmem>>
      %dma_wait3A_1017 = arith.constant 0 : i32
      %dma_wait3A_1018 = arith.constant 0 : i32
      %dma_wait3A_1019 = tpu.memref_slice %arg3[%dma_wait3A_1017, %dma_wait3A_1018] : memref<100000x128xf32, #tpu.memory_space<hbm>> -> memref<64x128xf32, #tpu.memory_space<hbm>>
      %dma_wait3A_1020 = arith.constant 192 : i32
      %dma_wait3A_1021 = arith.constant 0 : i32
      %dma_wait3A_1022 = tpu.memref_slice %arg6[%dma_wait3A_1020, %dma_wait3A_1021] : memref<320x128xf32, #tpu.memory_space<vmem>> -> memref<64x128xf32, #tpu.memory_space<vmem>>
      %dma_wait3A_1023 = arith.constant 0 : i32
      %dma_wait3A_1024 = arith.constant 0 : i32
      %dma_wait3A_1025 = tpu.memref_slice %arg3[%dma_wait3A_1023, %dma_wait3A_1024] : memref<100000x128xf32, #tpu.memory_space<hbm>> -> memref<64x128xf32, #tpu.memory_space<hbm>>
      tpu.wait_dma2 semaphore(%arg8 : memref<!tpu.dma_semaphore, #tpu.memory_space<semaphore_mem>>) src(%dma_wait3A_1025 : memref<64x128xf32, #tpu.memory_space<hbm>>) dst(%dma_wait3A_1022 : memref<64x128xf32, #tpu.memory_space<vmem>>)
      %dma_wait3A_1026 = arith.constant 256 : i32
      %dma_wait3A_1027 = arith.constant 0 : i32
      %dma_wait3A_1028 = tpu.memref_slice %arg6[%dma_wait3A_1026, %dma_wait3A_1027] : memref<320x128xf32, #tpu.memory_space<vmem>> -> memref<64x128xf32, #tpu.memory_space<vmem>>
      %dma_wait3A_1029 = arith.constant 0 : i32
      %dma_wait3A_1030 = arith.constant 0 : i32
      %dma_wait3A_1031 = tpu.memref_slice %arg3[%dma_wait3A_1029, %dma_wait3A_1030] : memref<100000x128xf32, #tpu.memory_space<hbm>> -> memref<64x128xf32, #tpu.memory_space<hbm>>
      %dma_wait3A_1032 = arith.constant 256 : i32
      %dma_wait3A_1033 = arith.constant 0 : i32
      %dma_wait3A_1034 = tpu.memref_slice %arg6[%dma_wait3A_1032, %dma_wait3A_1033] : memref<320x128xf32, #tpu.memory_space<vmem>> -> memref<64x128xf32, #tpu.memory_space<vmem>>
      %dma_wait3A_1035 = arith.constant 0 : i32
      %dma_wait3A_1036 = arith.constant 0 : i32
      %dma_wait3A_1037 = tpu.memref_slice %arg3[%dma_wait3A_1035, %dma_wait3A_1036] : memref<100000x128xf32, #tpu.memory_space<hbm>> -> memref<64x128xf32, #tpu.memory_space<hbm>>
      tpu.wait_dma2 semaphore(%arg8 : memref<!tpu.dma_semaphore, #tpu.memory_space<semaphore_mem>>) src(%dma_wait3A_1037 : memref<64x128xf32, #tpu.memory_space<hbm>>) dst(%dma_wait3A_1034 : memref<64x128xf32, #tpu.memory_space<vmem>>)
      %add3A_1038 = arith.constant 1 : i32
      %add3A_1039 = arith.addi %add3A_490, %add3A_1038 : i32
      %mul3A_1040 = arith.constant 5 : i32
      %mul3A_1041 = arith.muli %add3A_1039, %mul3A_1040 : i32
      %add3A_1042 = arith.constant 0 : i32
      %add3A_1043 = arith.addi %mul3A_1041, %add3A_1042 : i32
      %jit3A_1044 = arith.constant 2 : i32
      %div3A_1045 = arith.divsi %add3A_1043, %jit3A_1044 : i32
      %sign3A_1046 = arith.constant 0 : i32
      %sign3A_1047 = arith.cmpi sgt, %add3A_1043, %sign3A_1046 : i32
      %sign3A_1048 = arith.extui %sign3A_1047 : i1 to i32
      %sign3A_1049 = arith.constant 0 : i32
      %sign3A_1050 = arith.cmpi slt, %add3A_1043, %sign3A_1049 : i32
      %sign3A_1051 = arith.extui %sign3A_1050 : i1 to i32
      %sign3A_1052 = arith.subi %sign3A_1048, %sign3A_1051 : i32
      %sign3A_1053 = arith.constant 0 : i32
      %sign3A_1054 = arith.cmpi sgt, %jit3A_1044, %sign3A_1053 : i32
      %sign3A_1055 = arith.extui %sign3A_1054 : i1 to i32
      %sign3A_1056 = arith.constant 0 : i32
      %sign3A_1057 = arith.cmpi slt, %jit3A_1044, %sign3A_1056 : i32
      %sign3A_1058 = arith.extui %sign3A_1057 : i1 to i32
      %sign3A_1059 = arith.subi %sign3A_1055, %sign3A_1058 : i32
      %ne3A_1060 = arith.cmpi ne, %sign3A_1052, %sign3A_1059 : i32
      %rem3A_1061 = arith.remsi %add3A_1043, %jit3A_1044 : i32
      %ne3A_1062 = arith.constant 0 : i32
      %ne3A_1063 = arith.cmpi ne, %rem3A_1061, %ne3A_1062 : i32
      %and3A_1064 = arith.andi %ne3A_1060, %ne3A_1063 : i1
      %sub3A_1065 = arith.constant 1 : i32
      %sub3A_1066 = arith.subi %div3A_1045, %sub3A_1065 : i32
      %select_n3A_1067 = arith.select %and3A_1064, %sub3A_1066, %div3A_1045 : i32
      %mul3A_1068 = arith.constant 4096 : i32
      %mul3A_1069 = arith.muli %select_n3A_1067, %mul3A_1068 : i32
      %mul3A_1070 = arith.constant 128 : i32
      %mul3A_1071 = arith.muli %add3A, %mul3A_1070 : i32
      %add3A_1072 = arith.addi %mul3A_1069, %mul3A_1071 : i32
      %jit3A_1073 = arith.constant 2 : i32
      %eq3A_1074 = arith.constant 0 : i32
      %eq3A_1075 = arith.cmpi eq, %jit3A_1073, %eq3A_1074 : i32
      %jit3A_1076 = arith.constant 1 : i32
      %select_n3A_1077 = arith.select %eq3A_1075, %jit3A_1076, %jit3A_1073 : i32
      %rem3A_1078 = arith.remsi %add3A_1043, %select_n3A_1077 : i32
      %ne3A_1079 = arith.constant 0 : i32
      %ne3A_1080 = arith.cmpi ne, %rem3A_1078, %ne3A_1079 : i32
      %lt3A_1081 = arith.constant 0 : i32
      %lt3A_1082 = arith.cmpi slt, %rem3A_1078, %lt3A_1081 : i32
      %lt3A_1083 = arith.constant 0 : i32
      %lt3A_1084 = arith.cmpi slt, %select_n3A_1077, %lt3A_1083 : i32
      %ne3A_1085 = arith.xori %lt3A_1082, %lt3A_1084 : i1
      %and3A_1086 = arith.andi %ne3A_1085, %ne3A_1080 : i1
      %add3A_1087 = arith.addi %rem3A_1078, %select_n3A_1077 : i32
      %select_n3A_1088 = arith.select %and3A_1086, %add3A_1087, %rem3A_1078 : i32
      %mul3A_1089 = arith.constant 64 : i32
      %mul3A_1090 = arith.muli %select_n3A_1088, %mul3A_1089 : i32
      %add3A_1091 = arith.addi %add3A_1072, %mul3A_1090 : i32
      %dma_start3A_1092 = arith.constant 0 : i32
      %dma_start3A_1093 = arith.constant 0 : i32
      %dma_start3A_1094 = tpu.memref_slice %arg6[%dma_start3A_1092, %dma_start3A_1093] : memref<320x128xf32, #tpu.memory_space<vmem>> -> memref<64x128xf32, #tpu.memory_space<vmem>>
      %dma_start3A_1095 = arith.constant 0 : i32
      %dma_start3A_1096 = tpu.memref_slice %arg4[%add3A_1091, %dma_start3A_1095] : memref<204800x128xf32, #tpu.memory_space<hbm>> -> memref<64x128xf32, #tpu.memory_space<hbm>>
      %dma_start3A_1097 = arith.constant 0 : i32
      %dma_start3A_1098 = tpu.memref_slice %arg4[%add3A_1091, %dma_start3A_1097] : memref<204800x128xf32, #tpu.memory_space<hbm>> -> memref<64x128xf32, #tpu.memory_space<hbm>>
      %dma_start3A_1099 = arith.constant 0 : i32
      %dma_start3A_1100 = arith.constant 0 : i32
      %dma_start3A_1101 = tpu.memref_slice %arg6[%dma_start3A_1099, %dma_start3A_1100] : memref<320x128xf32, #tpu.memory_space<vmem>> -> memref<64x128xf32, #tpu.memory_space<vmem>>
      tpu.enqueue_dma source(%dma_start3A_1101 : memref<64x128xf32, #tpu.memory_space<vmem>>) target(%dma_start3A_1098 : memref<64x128xf32, #tpu.memory_space<hbm>>) target_semaphore(%arg10 : memref<!tpu.dma_semaphore, #tpu.memory_space<semaphore_mem>>)
      %mul3A_1102 = arith.constant 5 : i32
      %mul3A_1103 = arith.muli %add3A_1039, %mul3A_1102 : i32
      %add3A_1104 = arith.constant 1 : i32
      %add3A_1105 = arith.addi %mul3A_1103, %add3A_1104 : i32
      %jit3A_1106 = arith.constant 2 : i32
      %div3A_1107 = arith.divsi %add3A_1105, %jit3A_1106 : i32
      %sign3A_1108 = arith.constant 0 : i32
      %sign3A_1109 = arith.cmpi sgt, %add3A_1105, %sign3A_1108 : i32
      %sign3A_1110 = arith.extui %sign3A_1109 : i1 to i32
      %sign3A_1111 = arith.constant 0 : i32
      %sign3A_1112 = arith.cmpi slt, %add3A_1105, %sign3A_1111 : i32
      %sign3A_1113 = arith.extui %sign3A_1112 : i1 to i32
      %sign3A_1114 = arith.subi %sign3A_1110, %sign3A_1113 : i32
      %sign3A_1115 = arith.constant 0 : i32
      %sign3A_1116 = arith.cmpi sgt, %jit3A_1106, %sign3A_1115 : i32
      %sign3A_1117 = arith.extui %sign3A_1116 : i1 to i32
      %sign3A_1118 = arith.constant 0 : i32
      %sign3A_1119 = arith.cmpi slt, %jit3A_1106, %sign3A_1118 : i32
      %sign3A_1120 = arith.extui %sign3A_1119 : i1 to i32
      %sign3A_1121 = arith.subi %sign3A_1117, %sign3A_1120 : i32
      %ne3A_1122 = arith.cmpi ne, %sign3A_1114, %sign3A_1121 : i32
      %rem3A_1123 = arith.remsi %add3A_1105, %jit3A_1106 : i32
      %ne3A_1124 = arith.constant 0 : i32
      %ne3A_1125 = arith.cmpi ne, %rem3A_1123, %ne3A_1124 : i32
      %and3A_1126 = arith.andi %ne3A_1122, %ne3A_1125 : i1
      %sub3A_1127 = arith.constant 1 : i32
      %sub3A_1128 = arith.subi %div3A_1107, %sub3A_1127 : i32
      %select_n3A_1129 = arith.select %and3A_1126, %sub3A_1128, %div3A_1107 : i32
      %mul3A_1130 = arith.constant 4096 : i32
      %mul3A_1131 = arith.muli %select_n3A_1129, %mul3A_1130 : i32
      %mul3A_1132 = arith.constant 128 : i32
      %mul3A_1133 = arith.muli %add3A, %mul3A_1132 : i32
      %add3A_1134 = arith.addi %mul3A_1131, %mul3A_1133 : i32
      %jit3A_1135 = arith.constant 2 : i32
      %eq3A_1136 = arith.constant 0 : i32
      %eq3A_1137 = arith.cmpi eq, %jit3A_1135, %eq3A_1136 : i32
      %jit3A_1138 = arith.constant 1 : i32
      %select_n3A_1139 = arith.select %eq3A_1137, %jit3A_1138, %jit3A_1135 : i32
      %rem3A_1140 = arith.remsi %add3A_1105, %select_n3A_1139 : i32
      %ne3A_1141 = arith.constant 0 : i32
      %ne3A_1142 = arith.cmpi ne, %rem3A_1140, %ne3A_1141 : i32
      %lt3A_1143 = arith.constant 0 : i32
      %lt3A_1144 = arith.cmpi slt, %rem3A_1140, %lt3A_1143 : i32
      %lt3A_1145 = arith.constant 0 : i32
      %lt3A_1146 = arith.cmpi slt, %select_n3A_1139, %lt3A_1145 : i32
      %ne3A_1147 = arith.xori %lt3A_1144, %lt3A_1146 : i1
      %and3A_1148 = arith.andi %ne3A_1147, %ne3A_1142 : i1
      %add3A_1149 = arith.addi %rem3A_1140, %select_n3A_1139 : i32
      %select_n3A_1150 = arith.select %and3A_1148, %add3A_1149, %rem3A_1140 : i32
      %mul3A_1151 = arith.constant 64 : i32
      %mul3A_1152 = arith.muli %select_n3A_1150, %mul3A_1151 : i32
      %add3A_1153 = arith.addi %add3A_1134, %mul3A_1152 : i32
      %dma_start3A_1154 = arith.constant 64 : i32
      %dma_start3A_1155 = arith.constant 0 : i32
      %dma_start3A_1156 = tpu.memref_slice %arg6[%dma_start3A_1154, %dma_start3A_1155] : memref<320x128xf32, #tpu.memory_space<vmem>> -> memref<64x128xf32, #tpu.memory_space<vmem>>
      %dma_start3A_1157 = arith.constant 0 : i32
      %dma_start3A_1158 = tpu.memref_slice %arg4[%add3A_1153, %dma_start3A_1157] : memref<204800x128xf32, #tpu.memory_space<hbm>> -> memref<64x128xf32, #tpu.memory_space<hbm>>
      %dma_start3A_1159 = arith.constant 0 : i32
      %dma_start3A_1160 = tpu.memref_slice %arg4[%add3A_1153, %dma_start3A_1159] : memref<204800x128xf32, #tpu.memory_space<hbm>> -> memref<64x128xf32, #tpu.memory_space<hbm>>
      %dma_start3A_1161 = arith.constant 64 : i32
      %dma_start3A_1162 = arith.constant 0 : i32
      %dma_start3A_1163 = tpu.memref_slice %arg6[%dma_start3A_1161, %dma_start3A_1162] : memref<320x128xf32, #tpu.memory_space<vmem>> -> memref<64x128xf32, #tpu.memory_space<vmem>>
      tpu.enqueue_dma source(%dma_start3A_1163 : memref<64x128xf32, #tpu.memory_space<vmem>>) target(%dma_start3A_1160 : memref<64x128xf32, #tpu.memory_space<hbm>>) target_semaphore(%arg10 : memref<!tpu.dma_semaphore, #tpu.memory_space<semaphore_mem>>)
      %mul3A_1164 = arith.constant 5 : i32
      %mul3A_1165 = arith.muli %add3A_1039, %mul3A_1164 : i32
      %add3A_1166 = arith.constant 2 : i32
      %add3A_1167 = arith.addi %mul3A_1165, %add3A_1166 : i32
      %jit3A_1168 = arith.constant 2 : i32
      %div3A_1169 = arith.divsi %add3A_1167, %jit3A_1168 : i32
      %sign3A_1170 = arith.constant 0 : i32
      %sign3A_1171 = arith.cmpi sgt, %add3A_1167, %sign3A_1170 : i32
      %sign3A_1172 = arith.extui %sign3A_1171 : i1 to i32
      %sign3A_1173 = arith.constant 0 : i32
      %sign3A_1174 = arith.cmpi slt, %add3A_1167, %sign3A_1173 : i32
      %sign3A_1175 = arith.extui %sign3A_1174 : i1 to i32
      %sign3A_1176 = arith.subi %sign3A_1172, %sign3A_1175 : i32
      %sign3A_1177 = arith.constant 0 : i32
      %sign3A_1178 = arith.cmpi sgt, %jit3A_1168, %sign3A_1177 : i32
      %sign3A_1179 = arith.extui %sign3A_1178 : i1 to i32
      %sign3A_1180 = arith.constant 0 : i32
      %sign3A_1181 = arith.cmpi slt, %jit3A_1168, %sign3A_1180 : i32
      %sign3A_1182 = arith.extui %sign3A_1181 : i1 to i32
      %sign3A_1183 = arith.subi %sign3A_1179, %sign3A_1182 : i32
      %ne3A_1184 = arith.cmpi ne, %sign3A_1176, %sign3A_1183 : i32
      %rem3A_1185 = arith.remsi %add3A_1167, %jit3A_1168 : i32
      %ne3A_1186 = arith.constant 0 : i32
      %ne3A_1187 = arith.cmpi ne, %rem3A_1185, %ne3A_1186 : i32
      %and3A_1188 = arith.andi %ne3A_1184, %ne3A_1187 : i1
      %sub3A_1189 = arith.constant 1 : i32
      %sub3A_1190 = arith.subi %div3A_1169, %sub3A_1189 : i32
      %select_n3A_1191 = arith.select %and3A_1188, %sub3A_1190, %div3A_1169 : i32
      %mul3A_1192 = arith.constant 4096 : i32
      %mul3A_1193 = arith.muli %select_n3A_1191, %mul3A_1192 : i32
      %mul3A_1194 = arith.constant 128 : i32
      %mul3A_1195 = arith.muli %add3A, %mul3A_1194 : i32
      %add3A_1196 = arith.addi %mul3A_1193, %mul3A_1195 : i32
      %jit3A_1197 = arith.constant 2 : i32
      %eq3A_1198 = arith.constant 0 : i32
      %eq3A_1199 = arith.cmpi eq, %jit3A_1197, %eq3A_1198 : i32
      %jit3A_1200 = arith.constant 1 : i32
      %select_n3A_1201 = arith.select %eq3A_1199, %jit3A_1200, %jit3A_1197 : i32
      %rem3A_1202 = arith.remsi %add3A_1167, %select_n3A_1201 : i32
      %ne3A_1203 = arith.constant 0 : i32
      %ne3A_1204 = arith.cmpi ne, %rem3A_1202, %ne3A_1203 : i32
      %lt3A_1205 = arith.constant 0 : i32
      %lt3A_1206 = arith.cmpi slt, %rem3A_1202, %lt3A_1205 : i32
      %lt3A_1207 = arith.constant 0 : i32
      %lt3A_1208 = arith.cmpi slt, %select_n3A_1201, %lt3A_1207 : i32
      %ne3A_1209 = arith.xori %lt3A_1206, %lt3A_1208 : i1
      %and3A_1210 = arith.andi %ne3A_1209, %ne3A_1204 : i1
      %add3A_1211 = arith.addi %rem3A_1202, %select_n3A_1201 : i32
      %select_n3A_1212 = arith.select %and3A_1210, %add3A_1211, %rem3A_1202 : i32
      %mul3A_1213 = arith.constant 64 : i32
      %mul3A_1214 = arith.muli %select_n3A_1212, %mul3A_1213 : i32
      %add3A_1215 = arith.addi %add3A_1196, %mul3A_1214 : i32
      %dma_start3A_1216 = arith.constant 128 : i32
      %dma_start3A_1217 = arith.constant 0 : i32
      %dma_start3A_1218 = tpu.memref_slice %arg6[%dma_start3A_1216, %dma_start3A_1217] : memref<320x128xf32, #tpu.memory_space<vmem>> -> memref<64x128xf32, #tpu.memory_space<vmem>>
      %dma_start3A_1219 = arith.constant 0 : i32
      %dma_start3A_1220 = tpu.memref_slice %arg4[%add3A_1215, %dma_start3A_1219] : memref<204800x128xf32, #tpu.memory_space<hbm>> -> memref<64x128xf32, #tpu.memory_space<hbm>>
      %dma_start3A_1221 = arith.constant 0 : i32
      %dma_start3A_1222 = tpu.memref_slice %arg4[%add3A_1215, %dma_start3A_1221] : memref<204800x128xf32, #tpu.memory_space<hbm>> -> memref<64x128xf32, #tpu.memory_space<hbm>>
      %dma_start3A_1223 = arith.constant 128 : i32
      %dma_start3A_1224 = arith.constant 0 : i32
      %dma_start3A_1225 = tpu.memref_slice %arg6[%dma_start3A_1223, %dma_start3A_1224] : memref<320x128xf32, #tpu.memory_space<vmem>> -> memref<64x128xf32, #tpu.memory_space<vmem>>
      tpu.enqueue_dma source(%dma_start3A_1225 : memref<64x128xf32, #tpu.memory_space<vmem>>) target(%dma_start3A_1222 : memref<64x128xf32, #tpu.memory_space<hbm>>) target_semaphore(%arg10 : memref<!tpu.dma_semaphore, #tpu.memory_space<semaphore_mem>>)
      %mul3A_1226 = arith.constant 5 : i32
      %mul3A_1227 = arith.muli %add3A_1039, %mul3A_1226 : i32
      %add3A_1228 = arith.constant 3 : i32
      %add3A_1229 = arith.addi %mul3A_1227, %add3A_1228 : i32
      %jit3A_1230 = arith.constant 2 : i32
      %div3A_1231 = arith.divsi %add3A_1229, %jit3A_1230 : i32
      %sign3A_1232 = arith.constant 0 : i32
      %sign3A_1233 = arith.cmpi sgt, %add3A_1229, %sign3A_1232 : i32
      %sign3A_1234 = arith.extui %sign3A_1233 : i1 to i32
      %sign3A_1235 = arith.constant 0 : i32
      %sign3A_1236 = arith.cmpi slt, %add3A_1229, %sign3A_1235 : i32
      %sign3A_1237 = arith.extui %sign3A_1236 : i1 to i32
      %sign3A_1238 = arith.subi %sign3A_1234, %sign3A_1237 : i32
      %sign3A_1239 = arith.constant 0 : i32
      %sign3A_1240 = arith.cmpi sgt, %jit3A_1230, %sign3A_1239 : i32
      %sign3A_1241 = arith.extui %sign3A_1240 : i1 to i32
      %sign3A_1242 = arith.constant 0 : i32
      %sign3A_1243 = arith.cmpi slt, %jit3A_1230, %sign3A_1242 : i32
      %sign3A_1244 = arith.extui %sign3A_1243 : i1 to i32
      %sign3A_1245 = arith.subi %sign3A_1241, %sign3A_1244 : i32
      %ne3A_1246 = arith.cmpi ne, %sign3A_1238, %sign3A_1245 : i32
      %rem3A_1247 = arith.remsi %add3A_1229, %jit3A_1230 : i32
      %ne3A_1248 = arith.constant 0 : i32
      %ne3A_1249 = arith.cmpi ne, %rem3A_1247, %ne3A_1248 : i32
      %and3A_1250 = arith.andi %ne3A_1246, %ne3A_1249 : i1
      %sub3A_1251 = arith.constant 1 : i32
      %sub3A_1252 = arith.subi %div3A_1231, %sub3A_1251 : i32
      %select_n3A_1253 = arith.select %and3A_1250, %sub3A_1252, %div3A_1231 : i32
      %mul3A_1254 = arith.constant 4096 : i32
      %mul3A_1255 = arith.muli %select_n3A_1253, %mul3A_1254 : i32
      %mul3A_1256 = arith.constant 128 : i32
      %mul3A_1257 = arith.muli %add3A, %mul3A_1256 : i32
      %add3A_1258 = arith.addi %mul3A_1255, %mul3A_1257 : i32
      %jit3A_1259 = arith.constant 2 : i32
      %eq3A_1260 = arith.constant 0 : i32
      %eq3A_1261 = arith.cmpi eq, %jit3A_1259, %eq3A_1260 : i32
      %jit3A_1262 = arith.constant 1 : i32
      %select_n3A_1263 = arith.select %eq3A_1261, %jit3A_1262, %jit3A_1259 : i32
      %rem3A_1264 = arith.remsi %add3A_1229, %select_n3A_1263 : i32
      %ne3A_1265 = arith.constant 0 : i32
      %ne3A_1266 = arith.cmpi ne, %rem3A_1264, %ne3A_1265 : i32
      %lt3A_1267 = arith.constant 0 : i32
      %lt3A_1268 = arith.cmpi slt, %rem3A_1264, %lt3A_1267 : i32
      %lt3A_1269 = arith.constant 0 : i32
      %lt3A_1270 = arith.cmpi slt, %select_n3A_1263, %lt3A_1269 : i32
      %ne3A_1271 = arith.xori %lt3A_1268, %lt3A_1270 : i1
      %and3A_1272 = arith.andi %ne3A_1271, %ne3A_1266 : i1
      %add3A_1273 = arith.addi %rem3A_1264, %select_n3A_1263 : i32
      %select_n3A_1274 = arith.select %and3A_1272, %add3A_1273, %rem3A_1264 : i32
      %mul3A_1275 = arith.constant 64 : i32
      %mul3A_1276 = arith.muli %select_n3A_1274, %mul3A_1275 : i32
      %add3A_1277 = arith.addi %add3A_1258, %mul3A_1276 : i32
      %dma_start3A_1278 = arith.constant 192 : i32
      %dma_start3A_1279 = arith.constant 0 : i32
      %dma_start3A_1280 = tpu.memref_slice %arg6[%dma_start3A_1278, %dma_start3A_1279] : memref<320x128xf32, #tpu.memory_space<vmem>> -> memref<64x128xf32, #tpu.memory_space<vmem>>
      %dma_start3A_1281 = arith.constant 0 : i32
      %dma_start3A_1282 = tpu.memref_slice %arg4[%add3A_1277, %dma_start3A_1281] : memref<204800x128xf32, #tpu.memory_space<hbm>> -> memref<64x128xf32, #tpu.memory_space<hbm>>
      %dma_start3A_1283 = arith.constant 0 : i32
      %dma_start3A_1284 = tpu.memref_slice %arg4[%add3A_1277, %dma_start3A_1283] : memref<204800x128xf32, #tpu.memory_space<hbm>> -> memref<64x128xf32, #tpu.memory_space<hbm>>
      %dma_start3A_1285 = arith.constant 192 : i32
      %dma_start3A_1286 = arith.constant 0 : i32
      %dma_start3A_1287 = tpu.memref_slice %arg6[%dma_start3A_1285, %dma_start3A_1286] : memref<320x128xf32, #tpu.memory_space<vmem>> -> memref<64x128xf32, #tpu.memory_space<vmem>>
      tpu.enqueue_dma source(%dma_start3A_1287 : memref<64x128xf32, #tpu.memory_space<vmem>>) target(%dma_start3A_1284 : memref<64x128xf32, #tpu.memory_space<hbm>>) target_semaphore(%arg10 : memref<!tpu.dma_semaphore, #tpu.memory_space<semaphore_mem>>)
      %mul3A_1288 = arith.constant 5 : i32
      %mul3A_1289 = arith.muli %add3A_1039, %mul3A_1288 : i32
      %add3A_1290 = arith.constant 4 : i32
      %add3A_1291 = arith.addi %mul3A_1289, %add3A_1290 : i32
      %jit3A_1292 = arith.constant 2 : i32
      %div3A_1293 = arith.divsi %add3A_1291, %jit3A_1292 : i32
      %sign3A_1294 = arith.constant 0 : i32
      %sign3A_1295 = arith.cmpi sgt, %add3A_1291, %sign3A_1294 : i32
      %sign3A_1296 = arith.extui %sign3A_1295 : i1 to i32
      %sign3A_1297 = arith.constant 0 : i32
      %sign3A_1298 = arith.cmpi slt, %add3A_1291, %sign3A_1297 : i32
      %sign3A_1299 = arith.extui %sign3A_1298 : i1 to i32
      %sign3A_1300 = arith.subi %sign3A_1296, %sign3A_1299 : i32
      %sign3A_1301 = arith.constant 0 : i32
      %sign3A_1302 = arith.cmpi sgt, %jit3A_1292, %sign3A_1301 : i32
      %sign3A_1303 = arith.extui %sign3A_1302 : i1 to i32
      %sign3A_1304 = arith.constant 0 : i32
      %sign3A_1305 = arith.cmpi slt, %jit3A_1292, %sign3A_1304 : i32
      %sign3A_1306 = arith.extui %sign3A_1305 : i1 to i32
      %sign3A_1307 = arith.subi %sign3A_1303, %sign3A_1306 : i32
      %ne3A_1308 = arith.cmpi ne, %sign3A_1300, %sign3A_1307 : i32
      %rem3A_1309 = arith.remsi %add3A_1291, %jit3A_1292 : i32
      %ne3A_1310 = arith.constant 0 : i32
      %ne3A_1311 = arith.cmpi ne, %rem3A_1309, %ne3A_1310 : i32
      %and3A_1312 = arith.andi %ne3A_1308, %ne3A_1311 : i1
      %sub3A_1313 = arith.constant 1 : i32
      %sub3A_1314 = arith.subi %div3A_1293, %sub3A_1313 : i32
      %select_n3A_1315 = arith.select %and3A_1312, %sub3A_1314, %div3A_1293 : i32
      %mul3A_1316 = arith.constant 4096 : i32
      %mul3A_1317 = arith.muli %select_n3A_1315, %mul3A_1316 : i32
      %mul3A_1318 = arith.constant 128 : i32
      %mul3A_1319 = arith.muli %add3A, %mul3A_1318 : i32
      %add3A_1320 = arith.addi %mul3A_1317, %mul3A_1319 : i32
      %jit3A_1321 = arith.constant 2 : i32
      %eq3A_1322 = arith.constant 0 : i32
      %eq3A_1323 = arith.cmpi eq, %jit3A_1321, %eq3A_1322 : i32
      %jit3A_1324 = arith.constant 1 : i32
      %select_n3A_1325 = arith.select %eq3A_1323, %jit3A_1324, %jit3A_1321 : i32
      %rem3A_1326 = arith.remsi %add3A_1291, %select_n3A_1325 : i32
      %ne3A_1327 = arith.constant 0 : i32
      %ne3A_1328 = arith.cmpi ne, %rem3A_1326, %ne3A_1327 : i32
      %lt3A_1329 = arith.constant 0 : i32
      %lt3A_1330 = arith.cmpi slt, %rem3A_1326, %lt3A_1329 : i32
      %lt3A_1331 = arith.constant 0 : i32
      %lt3A_1332 = arith.cmpi slt, %select_n3A_1325, %lt3A_1331 : i32
      %ne3A_1333 = arith.xori %lt3A_1330, %lt3A_1332 : i1
      %and3A_1334 = arith.andi %ne3A_1333, %ne3A_1328 : i1
      %add3A_1335 = arith.addi %rem3A_1326, %select_n3A_1325 : i32
      %select_n3A_1336 = arith.select %and3A_1334, %add3A_1335, %rem3A_1326 : i32
      %mul3A_1337 = arith.constant 64 : i32
      %mul3A_1338 = arith.muli %select_n3A_1336, %mul3A_1337 : i32
      %add3A_1339 = arith.addi %add3A_1320, %mul3A_1338 : i32
      %dma_start3A_1340 = arith.constant 256 : i32
      %dma_start3A_1341 = arith.constant 0 : i32
      %dma_start3A_1342 = tpu.memref_slice %arg6[%dma_start3A_1340, %dma_start3A_1341] : memref<320x128xf32, #tpu.memory_space<vmem>> -> memref<64x128xf32, #tpu.memory_space<vmem>>
      %dma_start3A_1343 = arith.constant 0 : i32
      %dma_start3A_1344 = tpu.memref_slice %arg4[%add3A_1339, %dma_start3A_1343] : memref<204800x128xf32, #tpu.memory_space<hbm>> -> memref<64x128xf32, #tpu.memory_space<hbm>>
      %dma_start3A_1345 = arith.constant 0 : i32
      %dma_start3A_1346 = tpu.memref_slice %arg4[%add3A_1339, %dma_start3A_1345] : memref<204800x128xf32, #tpu.memory_space<hbm>> -> memref<64x128xf32, #tpu.memory_space<hbm>>
      %dma_start3A_1347 = arith.constant 256 : i32
      %dma_start3A_1348 = arith.constant 0 : i32
      %dma_start3A_1349 = tpu.memref_slice %arg6[%dma_start3A_1347, %dma_start3A_1348] : memref<320x128xf32, #tpu.memory_space<vmem>> -> memref<64x128xf32, #tpu.memory_space<vmem>>
      tpu.enqueue_dma source(%dma_start3A_1349 : memref<64x128xf32, #tpu.memory_space<vmem>>) target(%dma_start3A_1346 : memref<64x128xf32, #tpu.memory_space<hbm>>) target_semaphore(%arg10 : memref<!tpu.dma_semaphore, #tpu.memory_space<semaphore_mem>>)
      %dma_wait3A_1350 = arith.constant 0 : i32
      %dma_wait3A_1351 = arith.constant 0 : i32
      %dma_wait3A_1352 = tpu.memref_slice %arg7[%dma_wait3A_1350, %dma_wait3A_1351] : memref<320x128xf32, #tpu.memory_space<vmem>> -> memref<64x128xf32, #tpu.memory_space<vmem>>
      %dma_wait3A_1353 = arith.constant 0 : i32
      %dma_wait3A_1354 = arith.constant 0 : i32
      %dma_wait3A_1355 = tpu.memref_slice %arg4[%dma_wait3A_1353, %dma_wait3A_1354] : memref<204800x128xf32, #tpu.memory_space<hbm>> -> memref<64x128xf32, #tpu.memory_space<hbm>>
      %dma_wait3A_1356 = arith.constant 0 : i32
      %dma_wait3A_1357 = arith.constant 0 : i32
      %dma_wait3A_1358 = tpu.memref_slice %arg4[%dma_wait3A_1356, %dma_wait3A_1357] : memref<204800x128xf32, #tpu.memory_space<hbm>> -> memref<64x128xf32, #tpu.memory_space<hbm>>
      %dma_wait3A_1359 = arith.constant 0 : i32
      %dma_wait3A_1360 = arith.constant 0 : i32
      %dma_wait3A_1361 = tpu.memref_slice %arg7[%dma_wait3A_1359, %dma_wait3A_1360] : memref<320x128xf32, #tpu.memory_space<vmem>> -> memref<64x128xf32, #tpu.memory_space<vmem>>
      tpu.wait_dma2 semaphore(%arg11 : memref<!tpu.dma_semaphore, #tpu.memory_space<semaphore_mem>>) src(%dma_wait3A_1361 : memref<64x128xf32, #tpu.memory_space<vmem>>) dst(%dma_wait3A_1358 : memref<64x128xf32, #tpu.memory_space<hbm>>)
      %dma_wait3A_1362 = arith.constant 64 : i32
      %dma_wait3A_1363 = arith.constant 0 : i32
      %dma_wait3A_1364 = tpu.memref_slice %arg7[%dma_wait3A_1362, %dma_wait3A_1363] : memref<320x128xf32, #tpu.memory_space<vmem>> -> memref<64x128xf32, #tpu.memory_space<vmem>>
      %dma_wait3A_1365 = arith.constant 0 : i32
      %dma_wait3A_1366 = arith.constant 0 : i32
      %dma_wait3A_1367 = tpu.memref_slice %arg4[%dma_wait3A_1365, %dma_wait3A_1366] : memref<204800x128xf32, #tpu.memory_space<hbm>> -> memref<64x128xf32, #tpu.memory_space<hbm>>
      %dma_wait3A_1368 = arith.constant 0 : i32
      %dma_wait3A_1369 = arith.constant 0 : i32
      %dma_wait3A_1370 = tpu.memref_slice %arg4[%dma_wait3A_1368, %dma_wait3A_1369] : memref<204800x128xf32, #tpu.memory_space<hbm>> -> memref<64x128xf32, #tpu.memory_space<hbm>>
      %dma_wait3A_1371 = arith.constant 64 : i32
      %dma_wait3A_1372 = arith.constant 0 : i32
      %dma_wait3A_1373 = tpu.memref_slice %arg7[%dma_wait3A_1371, %dma_wait3A_1372] : memref<320x128xf32, #tpu.memory_space<vmem>> -> memref<64x128xf32, #tpu.memory_space<vmem>>
      tpu.wait_dma2 semaphore(%arg11 : memref<!tpu.dma_semaphore, #tpu.memory_space<semaphore_mem>>) src(%dma_wait3A_1373 : memref<64x128xf32, #tpu.memory_space<vmem>>) dst(%dma_wait3A_1370 : memref<64x128xf32, #tpu.memory_space<hbm>>)
      %dma_wait3A_1374 = arith.constant 128 : i32
      %dma_wait3A_1375 = arith.constant 0 : i32
      %dma_wait3A_1376 = tpu.memref_slice %arg7[%dma_wait3A_1374, %dma_wait3A_1375] : memref<320x128xf32, #tpu.memory_space<vmem>> -> memref<64x128xf32, #tpu.memory_space<vmem>>
      %dma_wait3A_1377 = arith.constant 0 : i32
      %dma_wait3A_1378 = arith.constant 0 : i32
      %dma_wait3A_1379 = tpu.memref_slice %arg4[%dma_wait3A_1377, %dma_wait3A_1378] : memref<204800x128xf32, #tpu.memory_space<hbm>> -> memref<64x128xf32, #tpu.memory_space<hbm>>
      %dma_wait3A_1380 = arith.constant 0 : i32
      %dma_wait3A_1381 = arith.constant 0 : i32
      %dma_wait3A_1382 = tpu.memref_slice %arg4[%dma_wait3A_1380, %dma_wait3A_1381] : memref<204800x128xf32, #tpu.memory_space<hbm>> -> memref<64x128xf32, #tpu.memory_space<hbm>>
      %dma_wait3A_1383 = arith.constant 128 : i32
      %dma_wait3A_1384 = arith.constant 0 : i32
      %dma_wait3A_1385 = tpu.memref_slice %arg7[%dma_wait3A_1383, %dma_wait3A_1384] : memref<320x128xf32, #tpu.memory_space<vmem>> -> memref<64x128xf32, #tpu.memory_space<vmem>>
      tpu.wait_dma2 semaphore(%arg11 : memref<!tpu.dma_semaphore, #tpu.memory_space<semaphore_mem>>) src(%dma_wait3A_1385 : memref<64x128xf32, #tpu.memory_space<vmem>>) dst(%dma_wait3A_1382 : memref<64x128xf32, #tpu.memory_space<hbm>>)
      %dma_wait3A_1386 = arith.constant 192 : i32
      %dma_wait3A_1387 = arith.constant 0 : i32
      %dma_wait3A_1388 = tpu.memref_slice %arg7[%dma_wait3A_1386, %dma_wait3A_1387] : memref<320x128xf32, #tpu.memory_space<vmem>> -> memref<64x128xf32, #tpu.memory_space<vmem>>
      %dma_wait3A_1389 = arith.constant 0 : i32
      %dma_wait3A_1390 = arith.constant 0 : i32
      %dma_wait3A_1391 = tpu.memref_slice %arg4[%dma_wait3A_1389, %dma_wait3A_1390] : memref<204800x128xf32, #tpu.memory_space<hbm>> -> memref<64x128xf32, #tpu.memory_space<hbm>>
      %dma_wait3A_1392 = arith.constant 0 : i32
      %dma_wait3A_1393 = arith.constant 0 : i32
      %dma_wait3A_1394 = tpu.memref_slice %arg4[%dma_wait3A_1392, %dma_wait3A_1393] : memref<204800x128xf32, #tpu.memory_space<hbm>> -> memref<64x128xf32, #tpu.memory_space<hbm>>
      %dma_wait3A_1395 = arith.constant 192 : i32
      %dma_wait3A_1396 = arith.constant 0 : i32
      %dma_wait3A_1397 = tpu.memref_slice %arg7[%dma_wait3A_1395, %dma_wait3A_1396] : memref<320x128xf32, #tpu.memory_space<vmem>> -> memref<64x128xf32, #tpu.memory_space<vmem>>
      tpu.wait_dma2 semaphore(%arg11 : memref<!tpu.dma_semaphore, #tpu.memory_space<semaphore_mem>>) src(%dma_wait3A_1397 : memref<64x128xf32, #tpu.memory_space<vmem>>) dst(%dma_wait3A_1394 : memref<64x128xf32, #tpu.memory_space<hbm>>)
      %dma_wait3A_1398 = arith.constant 256 : i32
      %dma_wait3A_1399 = arith.constant 0 : i32
      %dma_wait3A_1400 = tpu.memref_slice %arg7[%dma_wait3A_1398, %dma_wait3A_1399] : memref<320x128xf32, #tpu.memory_space<vmem>> -> memref<64x128xf32, #tpu.memory_space<vmem>>
      %dma_wait3A_1401 = arith.constant 0 : i32
      %dma_wait3A_1402 = arith.constant 0 : i32
      %dma_wait3A_1403 = tpu.memref_slice %arg4[%dma_wait3A_1401, %dma_wait3A_1402] : memref<204800x128xf32, #tpu.memory_space<hbm>> -> memref<64x128xf32, #tpu.memory_space<hbm>>
      %dma_wait3A_1404 = arith.constant 0 : i32
      %dma_wait3A_1405 = arith.constant 0 : i32
      %dma_wait3A_1406 = tpu.memref_slice %arg4[%dma_wait3A_1404, %dma_wait3A_1405] : memref<204800x128xf32, #tpu.memory_space<hbm>> -> memref<64x128xf32, #tpu.memory_space<hbm>>
      %dma_wait3A_1407 = arith.constant 256 : i32
      %dma_wait3A_1408 = arith.constant 0 : i32
      %dma_wait3A_1409 = tpu.memref_slice %arg7[%dma_wait3A_1407, %dma_wait3A_1408] : memref<320x128xf32, #tpu.memory_space<vmem>> -> memref<64x128xf32, #tpu.memory_space<vmem>>
      tpu.wait_dma2 semaphore(%arg11 : memref<!tpu.dma_semaphore, #tpu.memory_space<semaphore_mem>>) src(%dma_wait3A_1409 : memref<64x128xf32, #tpu.memory_space<vmem>>) dst(%dma_wait3A_1406 : memref<64x128xf32, #tpu.memory_space<hbm>>)
      %add3A_1410 = arith.constant 2 : i32
      %add3A_1411 = arith.addi %add3A_490, %add3A_1410 : i32
      %mul3A_1412 = arith.constant 5 : i32
      %mul3A_1413 = arith.muli %add3A_1411, %mul3A_1412 : i32
      %add3A_1414 = arith.constant 0 : i32
      %add3A_1415 = arith.addi %mul3A_1413, %add3A_1414 : i32
      %mul3A_1416 = arith.constant 64 : i32
      %mul3A_1417 = arith.muli %add3A_1415, %mul3A_1416 : i32
      %dma_start3A_1418 = arith.constant 0 : i32
      %dma_start3A_1419 = arith.constant 0 : i32
      %dma_start3A_1420 = tpu.memref_slice %arg7[%dma_start3A_1418, %dma_start3A_1419] : memref<320x128xf32, #tpu.memory_space<vmem>> -> memref<64x128xf32, #tpu.memory_space<vmem>>
      %dma_start3A_1421 = tpu.memref_slice %arg5[%mul3A_1417] : memref<6400xi32, #tpu.memory_space<vmem>> -> memref<64xi32, #tpu.memory_space<vmem>>
      %dma_start3A_1422 = arith.constant 0 : i32
      %dma_start3A_1423 = arith.constant 0 : i32
      %dma_start3A_1424 = tpu.memref_slice %arg3[%dma_start3A_1422, %dma_start3A_1423] : memref<100000x128xf32, #tpu.memory_space<hbm>> -> memref<100000x128xf32, #tpu.memory_space<hbm>>
      tpu.enqueue_indirect_dma source(%dma_start3A_1424 : memref<100000x128xf32, #tpu.memory_space<hbm>>) target(%dma_start3A_1420 : memref<64x128xf32, #tpu.memory_space<vmem>>) offsets(%dma_start3A_1421 : memref<64xi32, #tpu.memory_space<vmem>>) semaphore(%arg9 : memref<!tpu.dma_semaphore, #tpu.memory_space<semaphore_mem>>)
      %mul3A_1425 = arith.constant 5 : i32
      %mul3A_1426 = arith.muli %add3A_1411, %mul3A_1425 : i32
      %add3A_1427 = arith.constant 1 : i32
      %add3A_1428 = arith.addi %mul3A_1426, %add3A_1427 : i32
      %mul3A_1429 = arith.constant 64 : i32
      %mul3A_1430 = arith.muli %add3A_1428, %mul3A_1429 : i32
      %dma_start3A_1431 = arith.constant 64 : i32
      %dma_start3A_1432 = arith.constant 0 : i32
      %dma_start3A_1433 = tpu.memref_slice %arg7[%dma_start3A_1431, %dma_start3A_1432] : memref<320x128xf32, #tpu.memory_space<vmem>> -> memref<64x128xf32, #tpu.memory_space<vmem>>
      %dma_start3A_1434 = tpu.memref_slice %arg5[%mul3A_1430] : memref<6400xi32, #tpu.memory_space<vmem>> -> memref<64xi32, #tpu.memory_space<vmem>>
      %dma_start3A_1435 = arith.constant 0 : i32
      %dma_start3A_1436 = arith.constant 0 : i32
      %dma_start3A_1437 = tpu.memref_slice %arg3[%dma_start3A_1435, %dma_start3A_1436] : memref<100000x128xf32, #tpu.memory_space<hbm>> -> memref<100000x128xf32, #tpu.memory_space<hbm>>
      tpu.enqueue_indirect_dma source(%dma_start3A_1437 : memref<100000x128xf32, #tpu.memory_space<hbm>>) target(%dma_start3A_1433 : memref<64x128xf32, #tpu.memory_space<vmem>>) offsets(%dma_start3A_1434 : memref<64xi32, #tpu.memory_space<vmem>>) semaphore(%arg9 : memref<!tpu.dma_semaphore, #tpu.memory_space<semaphore_mem>>)
      %mul3A_1438 = arith.constant 5 : i32
      %mul3A_1439 = arith.muli %add3A_1411, %mul3A_1438 : i32
      %add3A_1440 = arith.constant 2 : i32
      %add3A_1441 = arith.addi %mul3A_1439, %add3A_1440 : i32
      %mul3A_1442 = arith.constant 64 : i32
      %mul3A_1443 = arith.muli %add3A_1441, %mul3A_1442 : i32
      %dma_start3A_1444 = arith.constant 128 : i32
      %dma_start3A_1445 = arith.constant 0 : i32
      %dma_start3A_1446 = tpu.memref_slice %arg7[%dma_start3A_1444, %dma_start3A_1445] : memref<320x128xf32, #tpu.memory_space<vmem>> -> memref<64x128xf32, #tpu.memory_space<vmem>>
      %dma_start3A_1447 = tpu.memref_slice %arg5[%mul3A_1443] : memref<6400xi32, #tpu.memory_space<vmem>> -> memref<64xi32, #tpu.memory_space<vmem>>
      %dma_start3A_1448 = arith.constant 0 : i32
      %dma_start3A_1449 = arith.constant 0 : i32
      %dma_start3A_1450 = tpu.memref_slice %arg3[%dma_start3A_1448, %dma_start3A_1449] : memref<100000x128xf32, #tpu.memory_space<hbm>> -> memref<100000x128xf32, #tpu.memory_space<hbm>>
      tpu.enqueue_indirect_dma source(%dma_start3A_1450 : memref<100000x128xf32, #tpu.memory_space<hbm>>) target(%dma_start3A_1446 : memref<64x128xf32, #tpu.memory_space<vmem>>) offsets(%dma_start3A_1447 : memref<64xi32, #tpu.memory_space<vmem>>) semaphore(%arg9 : memref<!tpu.dma_semaphore, #tpu.memory_space<semaphore_mem>>)
      %mul3A_1451 = arith.constant 5 : i32
      %mul3A_1452 = arith.muli %add3A_1411, %mul3A_1451 : i32
      %add3A_1453 = arith.constant 3 : i32
      %add3A_1454 = arith.addi %mul3A_1452, %add3A_1453 : i32
      %mul3A_1455 = arith.constant 64 : i32
      %mul3A_1456 = arith.muli %add3A_1454, %mul3A_1455 : i32
      %dma_start3A_1457 = arith.constant 192 : i32
      %dma_start3A_1458 = arith.constant 0 : i32
      %dma_start3A_1459 = tpu.memref_slice %arg7[%dma_start3A_1457, %dma_start3A_1458] : memref<320x128xf32, #tpu.memory_space<vmem>> -> memref<64x128xf32, #tpu.memory_space<vmem>>
      %dma_start3A_1460 = tpu.memref_slice %arg5[%mul3A_1456] : memref<6400xi32, #tpu.memory_space<vmem>> -> memref<64xi32, #tpu.memory_space<vmem>>
      %dma_start3A_1461 = arith.constant 0 : i32
      %dma_start3A_1462 = arith.constant 0 : i32
      %dma_start3A_1463 = tpu.memref_slice %arg3[%dma_start3A_1461, %dma_start3A_1462] : memref<100000x128xf32, #tpu.memory_space<hbm>> -> memref<100000x128xf32, #tpu.memory_space<hbm>>
      tpu.enqueue_indirect_dma source(%dma_start3A_1463 : memref<100000x128xf32, #tpu.memory_space<hbm>>) target(%dma_start3A_1459 : memref<64x128xf32, #tpu.memory_space<vmem>>) offsets(%dma_start3A_1460 : memref<64xi32, #tpu.memory_space<vmem>>) semaphore(%arg9 : memref<!tpu.dma_semaphore, #tpu.memory_space<semaphore_mem>>)
      %mul3A_1464 = arith.constant 5 : i32
      %mul3A_1465 = arith.muli %add3A_1411, %mul3A_1464 : i32
      %add3A_1466 = arith.constant 4 : i32
      %add3A_1467 = arith.addi %mul3A_1465, %add3A_1466 : i32
      %mul3A_1468 = arith.constant 64 : i32
      %mul3A_1469 = arith.muli %add3A_1467, %mul3A_1468 : i32
      %dma_start3A_1470 = arith.constant 256 : i32
      %dma_start3A_1471 = arith.constant 0 : i32
      %dma_start3A_1472 = tpu.memref_slice %arg7[%dma_start3A_1470, %dma_start3A_1471] : memref<320x128xf32, #tpu.memory_space<vmem>> -> memref<64x128xf32, #tpu.memory_space<vmem>>
      %dma_start3A_1473 = tpu.memref_slice %arg5[%mul3A_1469] : memref<6400xi32, #tpu.memory_space<vmem>> -> memref<64xi32, #tpu.memory_space<vmem>>
      %dma_start3A_1474 = arith.constant 0 : i32
      %dma_start3A_1475 = arith.constant 0 : i32
      %dma_start3A_1476 = tpu.memref_slice %arg3[%dma_start3A_1474, %dma_start3A_1475] : memref<100000x128xf32, #tpu.memory_space<hbm>> -> memref<100000x128xf32, #tpu.memory_space<hbm>>
      tpu.enqueue_indirect_dma source(%dma_start3A_1476 : memref<100000x128xf32, #tpu.memory_space<hbm>>) target(%dma_start3A_1472 : memref<64x128xf32, #tpu.memory_space<vmem>>) offsets(%dma_start3A_1473 : memref<64xi32, #tpu.memory_space<vmem>>) semaphore(%arg9 : memref<!tpu.dma_semaphore, #tpu.memory_space<semaphore_mem>>)
    }
    %scan3A_225 = arith.constant 9 : i32
    %dma_wait3A_226 = arith.constant 0 : i32
    %dma_wait3A_227 = arith.constant 0 : i32
    %dma_wait3A_228 = tpu.memref_slice %arg7[%dma_wait3A_226, %dma_wait3A_227] : memref<320x128xf32, #tpu.memory_space<vmem>> -> memref<64x128xf32, #tpu.memory_space<vmem>>
    %dma_wait3A_229 = arith.constant 0 : i32
    %dma_wait3A_230 = arith.constant 0 : i32
    %dma_wait3A_231 = tpu.memref_slice %arg3[%dma_wait3A_229, %dma_wait3A_230] : memref<100000x128xf32, #tpu.memory_space<hbm>> -> memref<64x128xf32, #tpu.memory_space<hbm>>
    %dma_wait3A_232 = arith.constant 0 : i32
    %dma_wait3A_233 = arith.constant 0 : i32
    %dma_wait3A_234 = tpu.memref_slice %arg7[%dma_wait3A_232, %dma_wait3A_233] : memref<320x128xf32, #tpu.memory_space<vmem>> -> memref<64x128xf32, #tpu.memory_space<vmem>>
    %dma_wait3A_235 = arith.constant 0 : i32
    %dma_wait3A_236 = arith.constant 0 : i32
    %dma_wait3A_237 = tpu.memref_slice %arg3[%dma_wait3A_235, %dma_wait3A_236] : memref<100000x128xf32, #tpu.memory_space<hbm>> -> memref<64x128xf32, #tpu.memory_space<hbm>>
    tpu.wait_dma2 semaphore(%arg9 : memref<!tpu.dma_semaphore, #tpu.memory_space<semaphore_mem>>) src(%dma_wait3A_237 : memref<64x128xf32, #tpu.memory_space<hbm>>) dst(%dma_wait3A_234 : memref<64x128xf32, #tpu.memory_space<vmem>>)
    %dma_wait3A_238 = arith.constant 64 : i32
    %dma_wait3A_239 = arith.constant 0 : i32
    %dma_wait3A_240 = tpu.memref_slice %arg7[%dma_wait3A_238, %dma_wait3A_239] : memref<320x128xf32, #tpu.memory_space<vmem>> -> memref<64x128xf32, #tpu.memory_space<vmem>>
    %dma_wait3A_241 = arith.constant 0 : i32
    %dma_wait3A_242 = arith.constant 0 : i32
    %dma_wait3A_243 = tpu.memref_slice %arg3[%dma_wait3A_241, %dma_wait3A_242] : memref<100000x128xf32, #tpu.memory_space<hbm>> -> memref<64x128xf32, #tpu.memory_space<hbm>>
    %dma_wait3A_244 = arith.constant 64 : i32
    %dma_wait3A_245 = arith.constant 0 : i32
    %dma_wait3A_246 = tpu.memref_slice %arg7[%dma_wait3A_244, %dma_wait3A_245] : memref<320x128xf32, #tpu.memory_space<vmem>> -> memref<64x128xf32, #tpu.memory_space<vmem>>
    %dma_wait3A_247 = arith.constant 0 : i32
    %dma_wait3A_248 = arith.constant 0 : i32
    %dma_wait3A_249 = tpu.memref_slice %arg3[%dma_wait3A_247, %dma_wait3A_248] : memref<100000x128xf32, #tpu.memory_space<hbm>> -> memref<64x128xf32, #tpu.memory_space<hbm>>
    tpu.wait_dma2 semaphore(%arg9 : memref<!tpu.dma_semaphore, #tpu.memory_space<semaphore_mem>>) src(%dma_wait3A_249 : memref<64x128xf32, #tpu.memory_space<hbm>>) dst(%dma_wait3A_246 : memref<64x128xf32, #tpu.memory_space<vmem>>)
    %dma_wait3A_250 = arith.constant 128 : i32
    %dma_wait3A_251 = arith.constant 0 : i32
    %dma_wait3A_252 = tpu.memref_slice %arg7[%dma_wait3A_250, %dma_wait3A_251] : memref<320x128xf32, #tpu.memory_space<vmem>> -> memref<64x128xf32, #tpu.memory_space<vmem>>
    %dma_wait3A_253 = arith.constant 0 : i32
    %dma_wait3A_254 = arith.constant 0 : i32
    %dma_wait3A_255 = tpu.memref_slice %arg3[%dma_wait3A_253, %dma_wait3A_254] : memref<100000x128xf32, #tpu.memory_space<hbm>> -> memref<64x128xf32, #tpu.memory_space<hbm>>
    %dma_wait3A_256 = arith.constant 128 : i32
    %dma_wait3A_257 = arith.constant 0 : i32
    %dma_wait3A_258 = tpu.memref_slice %arg7[%dma_wait3A_256, %dma_wait3A_257] : memref<320x128xf32, #tpu.memory_space<vmem>> -> memref<64x128xf32, #tpu.memory_space<vmem>>
    %dma_wait3A_259 = arith.constant 0 : i32
    %dma_wait3A_260 = arith.constant 0 : i32
    %dma_wait3A_261 = tpu.memref_slice %arg3[%dma_wait3A_259, %dma_wait3A_260] : memref<100000x128xf32, #tpu.memory_space<hbm>> -> memref<64x128xf32, #tpu.memory_space<hbm>>
    tpu.wait_dma2 semaphore(%arg9 : memref<!tpu.dma_semaphore, #tpu.memory_space<semaphore_mem>>) src(%dma_wait3A_261 : memref<64x128xf32, #tpu.memory_space<hbm>>) dst(%dma_wait3A_258 : memref<64x128xf32, #tpu.memory_space<vmem>>)
    %dma_wait3A_262 = arith.constant 192 : i32
    %dma_wait3A_263 = arith.constant 0 : i32
    %dma_wait3A_264 = tpu.memref_slice %arg7[%dma_wait3A_262, %dma_wait3A_263] : memref<320x128xf32, #tpu.memory_space<vmem>> -> memref<64x128xf32, #tpu.memory_space<vmem>>
    %dma_wait3A_265 = arith.constant 0 : i32
    %dma_wait3A_266 = arith.constant 0 : i32
    %dma_wait3A_267 = tpu.memref_slice %arg3[%dma_wait3A_265, %dma_wait3A_266] : memref<100000x128xf32, #tpu.memory_space<hbm>> -> memref<64x128xf32, #tpu.memory_space<hbm>>
    %dma_wait3A_268 = arith.constant 192 : i32
    %dma_wait3A_269 = arith.constant 0 : i32
    %dma_wait3A_270 = tpu.memref_slice %arg7[%dma_wait3A_268, %dma_wait3A_269] : memref<320x128xf32, #tpu.memory_space<vmem>> -> memref<64x128xf32, #tpu.memory_space<vmem>>
    %dma_wait3A_271 = arith.constant 0 : i32
    %dma_wait3A_272 = arith.constant 0 : i32
    %dma_wait3A_273 = tpu.memref_slice %arg3[%dma_wait3A_271, %dma_wait3A_272] : memref<100000x128xf32, #tpu.memory_space<hbm>> -> memref<64x128xf32, #tpu.memory_space<hbm>>
    tpu.wait_dma2 semaphore(%arg9 : memref<!tpu.dma_semaphore, #tpu.memory_space<semaphore_mem>>) src(%dma_wait3A_273 : memref<64x128xf32, #tpu.memory_space<hbm>>) dst(%dma_wait3A_270 : memref<64x128xf32, #tpu.memory_space<vmem>>)
    %dma_wait3A_274 = arith.constant 256 : i32
    %dma_wait3A_275 = arith.constant 0 : i32
    %dma_wait3A_276 = tpu.memref_slice %arg7[%dma_wait3A_274, %dma_wait3A_275] : memref<320x128xf32, #tpu.memory_space<vmem>> -> memref<64x128xf32, #tpu.memory_space<vmem>>
    %dma_wait3A_277 = arith.constant 0 : i32
    %dma_wait3A_278 = arith.constant 0 : i32
    %dma_wait3A_279 = tpu.memref_slice %arg3[%dma_wait3A_277, %dma_wait3A_278] : memref<100000x128xf32, #tpu.memory_space<hbm>> -> memref<64x128xf32, #tpu.memory_space<hbm>>
    %dma_wait3A_280 = arith.constant 256 : i32
    %dma_wait3A_281 = arith.constant 0 : i32
    %dma_wait3A_282 = tpu.memref_slice %arg7[%dma_wait3A_280, %dma_wait3A_281] : memref<320x128xf32, #tpu.memory_space<vmem>> -> memref<64x128xf32, #tpu.memory_space<vmem>>
    %dma_wait3A_283 = arith.constant 0 : i32
    %dma_wait3A_284 = arith.constant 0 : i32
    %dma_wait3A_285 = tpu.memref_slice %arg3[%dma_wait3A_283, %dma_wait3A_284] : memref<100000x128xf32, #tpu.memory_space<hbm>> -> memref<64x128xf32, #tpu.memory_space<hbm>>
    tpu.wait_dma2 semaphore(%arg9 : memref<!tpu.dma_semaphore, #tpu.memory_space<semaphore_mem>>) src(%dma_wait3A_285 : memref<64x128xf32, #tpu.memory_space<hbm>>) dst(%dma_wait3A_282 : memref<64x128xf32, #tpu.memory_space<vmem>>)
    %mul3A_286 = arith.constant 128 : i32
    %mul3A_287 = arith.muli %add3A, %mul3A_286 : i32
    %add3A_288 = arith.constant 192512 : i32
    %add3A_289 = arith.addi %add3A_288, %mul3A_287 : i32
    %add3A_290 = arith.constant 64 : i32
    %add3A_291 = arith.addi %add3A_289, %add3A_290 : i32
    %dma_start3A_292 = arith.constant 0 : i32
    %dma_start3A_293 = arith.constant 0 : i32
    %dma_start3A_294 = tpu.memref_slice %arg7[%dma_start3A_292, %dma_start3A_293] : memref<320x128xf32, #tpu.memory_space<vmem>> -> memref<64x128xf32, #tpu.memory_space<vmem>>
    %dma_start3A_295 = arith.constant 0 : i32
    %dma_start3A_296 = tpu.memref_slice %arg4[%add3A_291, %dma_start3A_295] : memref<204800x128xf32, #tpu.memory_space<hbm>> -> memref<64x128xf32, #tpu.memory_space<hbm>>
    %dma_start3A_297 = arith.constant 0 : i32
    %dma_start3A_298 = tpu.memref_slice %arg4[%add3A_291, %dma_start3A_297] : memref<204800x128xf32, #tpu.memory_space<hbm>> -> memref<64x128xf32, #tpu.memory_space<hbm>>
    %dma_start3A_299 = arith.constant 0 : i32
    %dma_start3A_300 = arith.constant 0 : i32
    %dma_start3A_301 = tpu.memref_slice %arg7[%dma_start3A_299, %dma_start3A_300] : memref<320x128xf32, #tpu.memory_space<vmem>> -> memref<64x128xf32, #tpu.memory_space<vmem>>
    tpu.enqueue_dma source(%dma_start3A_301 : memref<64x128xf32, #tpu.memory_space<vmem>>) target(%dma_start3A_298 : memref<64x128xf32, #tpu.memory_space<hbm>>) target_semaphore(%arg11 : memref<!tpu.dma_semaphore, #tpu.memory_space<semaphore_mem>>)
    %mul3A_302 = arith.constant 128 : i32
    %mul3A_303 = arith.muli %add3A, %mul3A_302 : i32
    %add3A_304 = arith.constant 196608 : i32
    %add3A_305 = arith.addi %add3A_304, %mul3A_303 : i32
    %add3A_306 = arith.constant 0 : i32
    %add3A_307 = arith.addi %add3A_305, %add3A_306 : i32
    %dma_start3A_308 = arith.constant 64 : i32
    %dma_start3A_309 = arith.constant 0 : i32
    %dma_start3A_310 = tpu.memref_slice %arg7[%dma_start3A_308, %dma_start3A_309] : memref<320x128xf32, #tpu.memory_space<vmem>> -> memref<64x128xf32, #tpu.memory_space<vmem>>
    %dma_start3A_311 = arith.constant 0 : i32
    %dma_start3A_312 = tpu.memref_slice %arg4[%add3A_307, %dma_start3A_311] : memref<204800x128xf32, #tpu.memory_space<hbm>> -> memref<64x128xf32, #tpu.memory_space<hbm>>
    %dma_start3A_313 = arith.constant 0 : i32
    %dma_start3A_314 = tpu.memref_slice %arg4[%add3A_307, %dma_start3A_313] : memref<204800x128xf32, #tpu.memory_space<hbm>> -> memref<64x128xf32, #tpu.memory_space<hbm>>
    %dma_start3A_315 = arith.constant 64 : i32
    %dma_start3A_316 = arith.constant 0 : i32
    %dma_start3A_317 = tpu.memref_slice %arg7[%dma_start3A_315, %dma_start3A_316] : memref<320x128xf32, #tpu.memory_space<vmem>> -> memref<64x128xf32, #tpu.memory_space<vmem>>
    tpu.enqueue_dma source(%dma_start3A_317 : memref<64x128xf32, #tpu.memory_space<vmem>>) target(%dma_start3A_314 : memref<64x128xf32, #tpu.memory_space<hbm>>) target_semaphore(%arg11 : memref<!tpu.dma_semaphore, #tpu.memory_space<semaphore_mem>>)
    %mul3A_318 = arith.constant 128 : i32
    %mul3A_319 = arith.muli %add3A, %mul3A_318 : i32
    %add3A_320 = arith.constant 196608 : i32
    %add3A_321 = arith.addi %add3A_320, %mul3A_319 : i32
    %add3A_322 = arith.constant 64 : i32
    %add3A_323 = arith.addi %add3A_321, %add3A_322 : i32
    %dma_start3A_324 = arith.constant 128 : i32
    %dma_start3A_325 = arith.constant 0 : i32
    %dma_start3A_326 = tpu.memref_slice %arg7[%dma_start3A_324, %dma_start3A_325] : memref<320x128xf32, #tpu.memory_space<vmem>> -> memref<64x128xf32, #tpu.memory_space<vmem>>
    %dma_start3A_327 = arith.constant 0 : i32
    %dma_start3A_328 = tpu.memref_slice %arg4[%add3A_323, %dma_start3A_327] : memref<204800x128xf32, #tpu.memory_space<hbm>> -> memref<64x128xf32, #tpu.memory_space<hbm>>
    %dma_start3A_329 = arith.constant 0 : i32
    %dma_start3A_330 = tpu.memref_slice %arg4[%add3A_323, %dma_start3A_329] : memref<204800x128xf32, #tpu.memory_space<hbm>> -> memref<64x128xf32, #tpu.memory_space<hbm>>
    %dma_start3A_331 = arith.constant 128 : i32
    %dma_start3A_332 = arith.constant 0 : i32
    %dma_start3A_333 = tpu.memref_slice %arg7[%dma_start3A_331, %dma_start3A_332] : memref<320x128xf32, #tpu.memory_space<vmem>> -> memref<64x128xf32, #tpu.memory_space<vmem>>
    tpu.enqueue_dma source(%dma_start3A_333 : memref<64x128xf32, #tpu.memory_space<vmem>>) target(%dma_start3A_330 : memref<64x128xf32, #tpu.memory_space<hbm>>) target_semaphore(%arg11 : memref<!tpu.dma_semaphore, #tpu.memory_space<semaphore_mem>>)
    %mul3A_334 = arith.constant 128 : i32
    %mul3A_335 = arith.muli %add3A, %mul3A_334 : i32
    %add3A_336 = arith.constant 200704 : i32
    %add3A_337 = arith.addi %add3A_336, %mul3A_335 : i32
    %add3A_338 = arith.constant 0 : i32
    %add3A_339 = arith.addi %add3A_337, %add3A_338 : i32
    %dma_start3A_340 = arith.constant 192 : i32
    %dma_start3A_341 = arith.constant 0 : i32
    %dma_start3A_342 = tpu.memref_slice %arg7[%dma_start3A_340, %dma_start3A_341] : memref<320x128xf32, #tpu.memory_space<vmem>> -> memref<64x128xf32, #tpu.memory_space<vmem>>
    %dma_start3A_343 = arith.constant 0 : i32
    %dma_start3A_344 = tpu.memref_slice %arg4[%add3A_339, %dma_start3A_343] : memref<204800x128xf32, #tpu.memory_space<hbm>> -> memref<64x128xf32, #tpu.memory_space<hbm>>
    %dma_start3A_345 = arith.constant 0 : i32
    %dma_start3A_346 = tpu.memref_slice %arg4[%add3A_339, %dma_start3A_345] : memref<204800x128xf32, #tpu.memory_space<hbm>> -> memref<64x128xf32, #tpu.memory_space<hbm>>
    %dma_start3A_347 = arith.constant 192 : i32
    %dma_start3A_348 = arith.constant 0 : i32
    %dma_start3A_349 = tpu.memref_slice %arg7[%dma_start3A_347, %dma_start3A_348] : memref<320x128xf32, #tpu.memory_space<vmem>> -> memref<64x128xf32, #tpu.memory_space<vmem>>
    tpu.enqueue_dma source(%dma_start3A_349 : memref<64x128xf32, #tpu.memory_space<vmem>>) target(%dma_start3A_346 : memref<64x128xf32, #tpu.memory_space<hbm>>) target_semaphore(%arg11 : memref<!tpu.dma_semaphore, #tpu.memory_space<semaphore_mem>>)
    %mul3A_350 = arith.constant 128 : i32
    %mul3A_351 = arith.muli %add3A, %mul3A_350 : i32
    %add3A_352 = arith.constant 200704 : i32
    %add3A_353 = arith.addi %add3A_352, %mul3A_351 : i32
    %add3A_354 = arith.constant 64 : i32
    %add3A_355 = arith.addi %add3A_353, %add3A_354 : i32
    %dma_start3A_356 = arith.constant 256 : i32
    %dma_start3A_357 = arith.constant 0 : i32
    %dma_start3A_358 = tpu.memref_slice %arg7[%dma_start3A_356, %dma_start3A_357] : memref<320x128xf32, #tpu.memory_space<vmem>> -> memref<64x128xf32, #tpu.memory_space<vmem>>
    %dma_start3A_359 = arith.constant 0 : i32
    %dma_start3A_360 = tpu.memref_slice %arg4[%add3A_355, %dma_start3A_359] : memref<204800x128xf32, #tpu.memory_space<hbm>> -> memref<64x128xf32, #tpu.memory_space<hbm>>
    %dma_start3A_361 = arith.constant 0 : i32
    %dma_start3A_362 = tpu.memref_slice %arg4[%add3A_355, %dma_start3A_361] : memref<204800x128xf32, #tpu.memory_space<hbm>> -> memref<64x128xf32, #tpu.memory_space<hbm>>
    %dma_start3A_363 = arith.constant 256 : i32
    %dma_start3A_364 = arith.constant 0 : i32
    %dma_start3A_365 = tpu.memref_slice %arg7[%dma_start3A_363, %dma_start3A_364] : memref<320x128xf32, #tpu.memory_space<vmem>> -> memref<64x128xf32, #tpu.memory_space<vmem>>
    tpu.enqueue_dma source(%dma_start3A_365 : memref<64x128xf32, #tpu.memory_space<vmem>>) target(%dma_start3A_362 : memref<64x128xf32, #tpu.memory_space<hbm>>) target_semaphore(%arg11 : memref<!tpu.dma_semaphore, #tpu.memory_space<semaphore_mem>>)
    %dma_wait3A_366 = arith.constant 0 : i32
    %dma_wait3A_367 = arith.constant 0 : i32
    %dma_wait3A_368 = tpu.memref_slice %arg6[%dma_wait3A_366, %dma_wait3A_367] : memref<320x128xf32, #tpu.memory_space<vmem>> -> memref<64x128xf32, #tpu.memory_space<vmem>>
    %dma_wait3A_369 = arith.constant 0 : i32
    %dma_wait3A_370 = arith.constant 0 : i32
    %dma_wait3A_371 = tpu.memref_slice %arg4[%dma_wait3A_369, %dma_wait3A_370] : memref<204800x128xf32, #tpu.memory_space<hbm>> -> memref<64x128xf32, #tpu.memory_space<hbm>>
    %dma_wait3A_372 = arith.constant 0 : i32
    %dma_wait3A_373 = arith.constant 0 : i32
    %dma_wait3A_374 = tpu.memref_slice %arg4[%dma_wait3A_372, %dma_wait3A_373] : memref<204800x128xf32, #tpu.memory_space<hbm>> -> memref<64x128xf32, #tpu.memory_space<hbm>>
    %dma_wait3A_375 = arith.constant 0 : i32
    %dma_wait3A_376 = arith.constant 0 : i32
    %dma_wait3A_377 = tpu.memref_slice %arg6[%dma_wait3A_375, %dma_wait3A_376] : memref<320x128xf32, #tpu.memory_space<vmem>> -> memref<64x128xf32, #tpu.memory_space<vmem>>
    tpu.wait_dma2 semaphore(%arg10 : memref<!tpu.dma_semaphore, #tpu.memory_space<semaphore_mem>>) src(%dma_wait3A_377 : memref<64x128xf32, #tpu.memory_space<vmem>>) dst(%dma_wait3A_374 : memref<64x128xf32, #tpu.memory_space<hbm>>)
    %dma_wait3A_378 = arith.constant 64 : i32
    %dma_wait3A_379 = arith.constant 0 : i32
    %dma_wait3A_380 = tpu.memref_slice %arg6[%dma_wait3A_378, %dma_wait3A_379] : memref<320x128xf32, #tpu.memory_space<vmem>> -> memref<64x128xf32, #tpu.memory_space<vmem>>
    %dma_wait3A_381 = arith.constant 0 : i32
    %dma_wait3A_382 = arith.constant 0 : i32
    %dma_wait3A_383 = tpu.memref_slice %arg4[%dma_wait3A_381, %dma_wait3A_382] : memref<204800x128xf32, #tpu.memory_space<hbm>> -> memref<64x128xf32, #tpu.memory_space<hbm>>
    %dma_wait3A_384 = arith.constant 0 : i32
    %dma_wait3A_385 = arith.constant 0 : i32
    %dma_wait3A_386 = tpu.memref_slice %arg4[%dma_wait3A_384, %dma_wait3A_385] : memref<204800x128xf32, #tpu.memory_space<hbm>> -> memref<64x128xf32, #tpu.memory_space<hbm>>
    %dma_wait3A_387 = arith.constant 64 : i32
    %dma_wait3A_388 = arith.constant 0 : i32
    %dma_wait3A_389 = tpu.memref_slice %arg6[%dma_wait3A_387, %dma_wait3A_388] : memref<320x128xf32, #tpu.memory_space<vmem>> -> memref<64x128xf32, #tpu.memory_space<vmem>>
    tpu.wait_dma2 semaphore(%arg10 : memref<!tpu.dma_semaphore, #tpu.memory_space<semaphore_mem>>) src(%dma_wait3A_389 : memref<64x128xf32, #tpu.memory_space<vmem>>) dst(%dma_wait3A_386 : memref<64x128xf32, #tpu.memory_space<hbm>>)
    %dma_wait3A_390 = arith.constant 128 : i32
    %dma_wait3A_391 = arith.constant 0 : i32
    %dma_wait3A_392 = tpu.memref_slice %arg6[%dma_wait3A_390, %dma_wait3A_391] : memref<320x128xf32, #tpu.memory_space<vmem>> -> memref<64x128xf32, #tpu.memory_space<vmem>>
    %dma_wait3A_393 = arith.constant 0 : i32
    %dma_wait3A_394 = arith.constant 0 : i32
    %dma_wait3A_395 = tpu.memref_slice %arg4[%dma_wait3A_393, %dma_wait3A_394] : memref<204800x128xf32, #tpu.memory_space<hbm>> -> memref<64x128xf32, #tpu.memory_space<hbm>>
    %dma_wait3A_396 = arith.constant 0 : i32
    %dma_wait3A_397 = arith.constant 0 : i32
    %dma_wait3A_398 = tpu.memref_slice %arg4[%dma_wait3A_396, %dma_wait3A_397] : memref<204800x128xf32, #tpu.memory_space<hbm>> -> memref<64x128xf32, #tpu.memory_space<hbm>>
    %dma_wait3A_399 = arith.constant 128 : i32
    %dma_wait3A_400 = arith.constant 0 : i32
    %dma_wait3A_401 = tpu.memref_slice %arg6[%dma_wait3A_399, %dma_wait3A_400] : memref<320x128xf32, #tpu.memory_space<vmem>> -> memref<64x128xf32, #tpu.memory_space<vmem>>
    tpu.wait_dma2 semaphore(%arg10 : memref<!tpu.dma_semaphore, #tpu.memory_space<semaphore_mem>>) src(%dma_wait3A_401 : memref<64x128xf32, #tpu.memory_space<vmem>>) dst(%dma_wait3A_398 : memref<64x128xf32, #tpu.memory_space<hbm>>)
    %dma_wait3A_402 = arith.constant 192 : i32
    %dma_wait3A_403 = arith.constant 0 : i32
    %dma_wait3A_404 = tpu.memref_slice %arg6[%dma_wait3A_402, %dma_wait3A_403] : memref<320x128xf32, #tpu.memory_space<vmem>> -> memref<64x128xf32, #tpu.memory_space<vmem>>
    %dma_wait3A_405 = arith.constant 0 : i32
    %dma_wait3A_406 = arith.constant 0 : i32
    %dma_wait3A_407 = tpu.memref_slice %arg4[%dma_wait3A_405, %dma_wait3A_406] : memref<204800x128xf32, #tpu.memory_space<hbm>> -> memref<64x128xf32, #tpu.memory_space<hbm>>
    %dma_wait3A_408 = arith.constant 0 : i32
    %dma_wait3A_409 = arith.constant 0 : i32
    %dma_wait3A_410 = tpu.memref_slice %arg4[%dma_wait3A_408, %dma_wait3A_409] : memref<204800x128xf32, #tpu.memory_space<hbm>> -> memref<64x128xf32, #tpu.memory_space<hbm>>
    %dma_wait3A_411 = arith.constant 192 : i32
    %dma_wait3A_412 = arith.constant 0 : i32
    %dma_wait3A_413 = tpu.memref_slice %arg6[%dma_wait3A_411, %dma_wait3A_412] : memref<320x128xf32, #tpu.memory_space<vmem>> -> memref<64x128xf32, #tpu.memory_space<vmem>>
    tpu.wait_dma2 semaphore(%arg10 : memref<!tpu.dma_semaphore, #tpu.memory_space<semaphore_mem>>) src(%dma_wait3A_413 : memref<64x128xf32, #tpu.memory_space<vmem>>) dst(%dma_wait3A_410 : memref<64x128xf32, #tpu.memory_space<hbm>>)
    %dma_wait3A_414 = arith.constant 256 : i32
    %dma_wait3A_415 = arith.constant 0 : i32
    %dma_wait3A_416 = tpu.memref_slice %arg6[%dma_wait3A_414, %dma_wait3A_415] : memref<320x128xf32, #tpu.memory_space<vmem>> -> memref<64x128xf32, #tpu.memory_space<vmem>>
    %dma_wait3A_417 = arith.constant 0 : i32
    %dma_wait3A_418 = arith.constant 0 : i32
    %dma_wait3A_419 = tpu.memref_slice %arg4[%dma_wait3A_417, %dma_wait3A_418] : memref<204800x128xf32, #tpu.memory_space<hbm>> -> memref<64x128xf32, #tpu.memory_space<hbm>>
    %dma_wait3A_420 = arith.constant 0 : i32
    %dma_wait3A_421 = arith.constant 0 : i32
    %dma_wait3A_422 = tpu.memref_slice %arg4[%dma_wait3A_420, %dma_wait3A_421] : memref<204800x128xf32, #tpu.memory_space<hbm>> -> memref<64x128xf32, #tpu.memory_space<hbm>>
    %dma_wait3A_423 = arith.constant 256 : i32
    %dma_wait3A_424 = arith.constant 0 : i32
    %dma_wait3A_425 = tpu.memref_slice %arg6[%dma_wait3A_423, %dma_wait3A_424] : memref<320x128xf32, #tpu.memory_space<vmem>> -> memref<64x128xf32, #tpu.memory_space<vmem>>
    tpu.wait_dma2 semaphore(%arg10 : memref<!tpu.dma_semaphore, #tpu.memory_space<semaphore_mem>>) src(%dma_wait3A_425 : memref<64x128xf32, #tpu.memory_space<vmem>>) dst(%dma_wait3A_422 : memref<64x128xf32, #tpu.memory_space<hbm>>)
    %dma_wait3A_426 = arith.constant 0 : i32
    %dma_wait3A_427 = arith.constant 0 : i32
    %dma_wait3A_428 = tpu.memref_slice %arg7[%dma_wait3A_426, %dma_wait3A_427] : memref<320x128xf32, #tpu.memory_space<vmem>> -> memref<64x128xf32, #tpu.memory_space<vmem>>
    %dma_wait3A_429 = arith.constant 0 : i32
    %dma_wait3A_430 = arith.constant 0 : i32
    %dma_wait3A_431 = tpu.memref_slice %arg4[%dma_wait3A_429, %dma_wait3A_430] : memref<204800x128xf32, #tpu.memory_space<hbm>> -> memref<64x128xf32, #tpu.memory_space<hbm>>
    %dma_wait3A_432 = arith.constant 0 : i32
    %dma_wait3A_433 = arith.constant 0 : i32
    %dma_wait3A_434 = tpu.memref_slice %arg4[%dma_wait3A_432, %dma_wait3A_433] : memref<204800x128xf32, #tpu.memory_space<hbm>> -> memref<64x128xf32, #tpu.memory_space<hbm>>
    %dma_wait3A_435 = arith.constant 0 : i32
    %dma_wait3A_436 = arith.constant 0 : i32
    %dma_wait3A_437 = tpu.memref_slice %arg7[%dma_wait3A_435, %dma_wait3A_436] : memref<320x128xf32, #tpu.memory_space<vmem>> -> memref<64x128xf32, #tpu.memory_space<vmem>>
    tpu.wait_dma2 semaphore(%arg11 : memref<!tpu.dma_semaphore, #tpu.memory_space<semaphore_mem>>) src(%dma_wait3A_437 : memref<64x128xf32, #tpu.memory_space<vmem>>) dst(%dma_wait3A_434 : memref<64x128xf32, #tpu.memory_space<hbm>>)
    %dma_wait3A_438 = arith.constant 64 : i32
    %dma_wait3A_439 = arith.constant 0 : i32
    %dma_wait3A_440 = tpu.memref_slice %arg7[%dma_wait3A_438, %dma_wait3A_439] : memref<320x128xf32, #tpu.memory_space<vmem>> -> memref<64x128xf32, #tpu.memory_space<vmem>>
    %dma_wait3A_441 = arith.constant 0 : i32
    %dma_wait3A_442 = arith.constant 0 : i32
    %dma_wait3A_443 = tpu.memref_slice %arg4[%dma_wait3A_441, %dma_wait3A_442] : memref<204800x128xf32, #tpu.memory_space<hbm>> -> memref<64x128xf32, #tpu.memory_space<hbm>>
    %dma_wait3A_444 = arith.constant 0 : i32
    %dma_wait3A_445 = arith.constant 0 : i32
    %dma_wait3A_446 = tpu.memref_slice %arg4[%dma_wait3A_444, %dma_wait3A_445] : memref<204800x128xf32, #tpu.memory_space<hbm>> -> memref<64x128xf32, #tpu.memory_space<hbm>>
    %dma_wait3A_447 = arith.constant 64 : i32
    %dma_wait3A_448 = arith.constant 0 : i32
    %dma_wait3A_449 = tpu.memref_slice %arg7[%dma_wait3A_447, %dma_wait3A_448] : memref<320x128xf32, #tpu.memory_space<vmem>> -> memref<64x128xf32, #tpu.memory_space<vmem>>
    tpu.wait_dma2 semaphore(%arg11 : memref<!tpu.dma_semaphore, #tpu.memory_space<semaphore_mem>>) src(%dma_wait3A_449 : memref<64x128xf32, #tpu.memory_space<vmem>>) dst(%dma_wait3A_446 : memref<64x128xf32, #tpu.memory_space<hbm>>)
    %dma_wait3A_450 = arith.constant 128 : i32
    %dma_wait3A_451 = arith.constant 0 : i32
    %dma_wait3A_452 = tpu.memref_slice %arg7[%dma_wait3A_450, %dma_wait3A_451] : memref<320x128xf32, #tpu.memory_space<vmem>> -> memref<64x128xf32, #tpu.memory_space<vmem>>
    %dma_wait3A_453 = arith.constant 0 : i32
    %dma_wait3A_454 = arith.constant 0 : i32
    %dma_wait3A_455 = tpu.memref_slice %arg4[%dma_wait3A_453, %dma_wait3A_454] : memref<204800x128xf32, #tpu.memory_space<hbm>> -> memref<64x128xf32, #tpu.memory_space<hbm>>
    %dma_wait3A_456 = arith.constant 0 : i32
    %dma_wait3A_457 = arith.constant 0 : i32
    %dma_wait3A_458 = tpu.memref_slice %arg4[%dma_wait3A_456, %dma_wait3A_457] : memref<204800x128xf32, #tpu.memory_space<hbm>> -> memref<64x128xf32, #tpu.memory_space<hbm>>
    %dma_wait3A_459 = arith.constant 128 : i32
    %dma_wait3A_460 = arith.constant 0 : i32
    %dma_wait3A_461 = tpu.memref_slice %arg7[%dma_wait3A_459, %dma_wait3A_460] : memref<320x128xf32, #tpu.memory_space<vmem>> -> memref<64x128xf32, #tpu.memory_space<vmem>>
    tpu.wait_dma2 semaphore(%arg11 : memref<!tpu.dma_semaphore, #tpu.memory_space<semaphore_mem>>) src(%dma_wait3A_461 : memref<64x128xf32, #tpu.memory_space<vmem>>) dst(%dma_wait3A_458 : memref<64x128xf32, #tpu.memory_space<hbm>>)
    %dma_wait3A_462 = arith.constant 192 : i32
    %dma_wait3A_463 = arith.constant 0 : i32
    %dma_wait3A_464 = tpu.memref_slice %arg7[%dma_wait3A_462, %dma_wait3A_463] : memref<320x128xf32, #tpu.memory_space<vmem>> -> memref<64x128xf32, #tpu.memory_space<vmem>>
    %dma_wait3A_465 = arith.constant 0 : i32
    %dma_wait3A_466 = arith.constant 0 : i32
    %dma_wait3A_467 = tpu.memref_slice %arg4[%dma_wait3A_465, %dma_wait3A_466] : memref<204800x128xf32, #tpu.memory_space<hbm>> -> memref<64x128xf32, #tpu.memory_space<hbm>>
    %dma_wait3A_468 = arith.constant 0 : i32
    %dma_wait3A_469 = arith.constant 0 : i32
    %dma_wait3A_470 = tpu.memref_slice %arg4[%dma_wait3A_468, %dma_wait3A_469] : memref<204800x128xf32, #tpu.memory_space<hbm>> -> memref<64x128xf32, #tpu.memory_space<hbm>>
    %dma_wait3A_471 = arith.constant 192 : i32
    %dma_wait3A_472 = arith.constant 0 : i32
    %dma_wait3A_473 = tpu.memref_slice %arg7[%dma_wait3A_471, %dma_wait3A_472] : memref<320x128xf32, #tpu.memory_space<vmem>> -> memref<64x128xf32, #tpu.memory_space<vmem>>
    tpu.wait_dma2 semaphore(%arg11 : memref<!tpu.dma_semaphore, #tpu.memory_space<semaphore_mem>>) src(%dma_wait3A_473 : memref<64x128xf32, #tpu.memory_space<vmem>>) dst(%dma_wait3A_470 : memref<64x128xf32, #tpu.memory_space<hbm>>)
    %dma_wait3A_474 = arith.constant 256 : i32
    %dma_wait3A_475 = arith.constant 0 : i32
    %dma_wait3A_476 = tpu.memref_slice %arg7[%dma_wait3A_474, %dma_wait3A_475] : memref<320x128xf32, #tpu.memory_space<vmem>> -> memref<64x128xf32, #tpu.memory_space<vmem>>
    %dma_wait3A_477 = arith.constant 0 : i32
    %dma_wait3A_478 = arith.constant 0 : i32
    %dma_wait3A_479 = tpu.memref_slice %arg4[%dma_wait3A_477, %dma_wait3A_478] : memref<204800x128xf32, #tpu.memory_space<hbm>> -> memref<64x128xf32, #tpu.memory_space<hbm>>
    %dma_wait3A_480 = arith.constant 0 : i32
    %dma_wait3A_481 = arith.constant 0 : i32
    %dma_wait3A_482 = tpu.memref_slice %arg4[%dma_wait3A_480, %dma_wait3A_481] : memref<204800x128xf32, #tpu.memory_space<hbm>> -> memref<64x128xf32, #tpu.memory_space<hbm>>
    %dma_wait3A_483 = arith.constant 256 : i32
    %dma_wait3A_484 = arith.constant 0 : i32
    %dma_wait3A_485 = tpu.memref_slice %arg7[%dma_wait3A_483, %dma_wait3A_484] : memref<320x128xf32, #tpu.memory_space<vmem>> -> memref<64x128xf32, #tpu.memory_space<vmem>>
    tpu.wait_dma2 semaphore(%arg11 : memref<!tpu.dma_semaphore, #tpu.memory_space<semaphore_mem>>) src(%dma_wait3A_485 : memref<64x128xf32, #tpu.memory_space<vmem>>) dst(%dma_wait3A_482 : memref<64x128xf32, #tpu.memory_space<hbm>>)
    return
  }
}

</mosaic_0001>

<sc_bundles>
// kernel: kernel.3.cloned.1.call-start
scs
__scs_entry_jumppad:
0x0: {  	(pc) =	sbr.rel $0x88, $3  }
0x1: {  	(tag) =	ssettag $0x0;
	lr =	simm.s32 $0x1  }
0x2: {  	[smem:$0x3F9F] =	sst lr;
	_ =	strace $0xD0000000  }
0x3: {  	_ = 	snop  }
0x4: {  	_ = 	snop  }
0x5: {  	_ = 	snop  }
0x6: {  	_ = 	snop  }
0x7: {  	_ = 	snop  }
__scs_overlays_trampoline_lowered:
0x8: {  	[smem:$0x3FAE] =	sst s0  }
0x9: {  	[smem:$0x3FAF] =	sst s1  }
0xa: {  	[smem:$0x3FB0] =	sst s2  }
0xb: {  	[smem:$0x3FB1] =	sst s3  }
0xc: {  	[smem:$0x3FB2] =	sst s4  }
0xd: {  	[smem:$0x3FB3] =	sst s5  }
0xe: {  	[smem:$0x3FB4] =	sst s6  }
0xf: {  	[smem:$0x3FB5] =	sst s7  }
0x10: {  	[smem:$0x3FB6] =	sst s8  }
0x11: {  	[smem:$0x3FB7] =	sst s9;
	s0 =	simm.s32 @!p0 $0x0  }
0x12: {  	s1 =	sld [smem:$0x3F9D];
	s0 =	simm.s32 @p0 $0x1  }
0x13: {  	[smem:$0x3FB8] =	sst s0;
	s0 =	simm.s32 @!p1 $0x0  }
0x14: {  	s2 =	sld [smem:$0x3F9C];
	s0 =	simm.s32 @p1 $0x1  }
0x15: {  	[smem:$0x3FB9] =	sst s0;
	s0 =	simm.s32 @!p2 $0x0  }
0x16: {  	s3 =	sld [smem:$0x3FDB];
	s0 =	simm.s32 @p2 $0x1  }
0x17: {  	s4 =	simm.s32 $0x1BF5;
	[smem:$0x3FBB] =	sst s0  }
0x18: {  	s0 =	sld [smem:$0x3F9E];
	_ =	swait.ge [sflag:s4], $0x0  }
0x19: {  	s7 =	sld [smem:$0x3F9F]  }
0x1a: {  	s8 =	sadd.s32 $0xFFFFE003, lr  }
0x1b: {  	s9 =	sadd.s32 $0xFFFFFEF7, lr;
	s5 =	simm.s32 $0xFFFFFFFF;
	p2 =	slt.u32 s8, $0xFFFFF086  }
0x1c: {  	p1 =	slt.u32 s9, $0xF7A;
	s5 =	simm.s32 @!p2 $0x0  }
0x1d: {  	s5 =	simm.s32 @p1 $0x1;
	p0 =	seq.s32 s7, s2  }
0x1e: {  	s7 =	smul.u32 @!p0 $0xF7A, s2;
	p2 =	seq.s32 @!p0 s5, $0x0  }
0x1f: {  	s9 =	smul.u32 $0xF7A, s1;
	s8 =	simm.s32 @!p0 $0x1BF5;
	p2 =	por !p2, p0  }
0x20: {  	[sflag:s8] =	ssyncset.s32 @!p0 $0xFFFFF086;
	s6 =	sadd.s32 @!p0 s3, s7;
	s7 =	simm.s32 @!p0 $0x108  }
0x21: {  	s3 =	sadd.s32 s3, s9;
	s6 =	sadd.s32 @!p0 $0x88, s6;
	s7 =	simm.s32 @p2 $0x1082  }
0x22: {  	[simem:s7], [sflag:s8] =	dma.local @!p0 [hbm:s6], $0xF7A  }
0x23: {  	s9 =	sor.u32 $0xD0000000, s2;
	s6 =	simm.s32 $0x108;
	_ =	swait.ge @!p0 [sflag:s8], $0x0  }
0x24: {  	s3 =	sadd.s32 $0x88, s3;
	s6 =	simm.s32 @!p1 $0x1082;
	[sflag:s4] =	ssyncset.s32 $0xFFFFF086  }
0x25: {  	[simem:s6], [sflag:s4] =	dma.local [hbm:s3], $0xF7A  }
0x26: {  	[smem:$0x3F9F] =	sst s1;
	(tag) =	ssettag s2;
	_ =	strace s9  }
0x27: {  	s1 =	sld [smem:$0x3FAF]  }
0x28: {  	s2 =	sld [smem:$0x3FB0]  }
0x29: {  	s4 =	sld [smem:$0x3FB2]  }
0x2a: {  	p0 =	seq.s32 s5, $0x0;
	s5 =	sld [smem:$0x3FB3]  }
0x2b: {  	s6 =	sld [smem:$0x3FB4]  }
0x2c: {  	s7 =	sld [smem:$0x3FB5]  }
0x2d: {  	s3 =	simm.s32 $0x108;
	s8 =	sld [smem:$0x3FB6]  }
0x2e: {  	s3 =	simm.s32 @!p0 $0x1082;
	s9 =	sld [smem:$0x3FB7]  }
0x2f: {  	lr =	sadd.s32 s0, s3;
	s0 =	sld [smem:$0x3FAE]  }
0x30: {  	s3 =	sld [smem:$0x3FB1]  }
0x31: {  	[smem:$0x3FBA] =	sst s10  }
0x32: {  	s10 =	sld [smem:$0x3FB8];
	_ =	sdelay $0x3  }
0x33: {  	p0 =	seq.s32 s10, $0x1;
	s10 =	sld [smem:$0x3FBA];
	_ =	sdelay $0x3  }
0x34: {  	[smem:$0x3FBA] =	sst s10  }
0x35: {  	s10 =	sld [smem:$0x3FB9];
	_ =	sdelay $0x3  }
0x36: {  	p1 =	seq.s32 s10, $0x1;
	s10 =	sld [smem:$0x3FBA];
	_ =	sdelay $0x3  }
0x37: {  	[smem:$0x3FBA] =	sst s10  }
0x38: {  	s10 =	sld [smem:$0x3FBB]  }
0x39: {  	_ = 	snop;
	(pc) =	sbr.ind lr, $3  }
0x3a: {  	_ = 	snop  }
0x3b: {  	_ = 	snop  }
0x3c: {  	p2 =	seq.s32 s10, $0x1;
	s10 =	sld [smem:$0x3FBA]  }
0x3d: {  	_ =	shalt  }
0x3e: {  	_ =	shalt  }
0x3f: {  	_ =	shalt  }
0x40: {  	_ =	shalt  }
0x41: {  	_ =	shalt  }
0x42: {  	_ =	shalt  }
0x43: {  	_ =	shalt  }
0x44: {  	_ =	shalt  }
0x45: {  	_ =	shalt  }
0x46: {  	_ =	shalt  }
0x47: {  	_ =	shalt  }
0x48: {  	_ =	shalt  }
0x49: {  	_ =	shalt  }
0x4a: {  	_ =	shalt  }
0x4b: {  	_ =	shalt  }
0x4c: {  	_ =	shalt  }
0x4d: {  	_ =	shalt  }
0x4e: {  	_ =	shalt  }
0x4f: {  	_ =	shalt  }
0x50: {  	_ =	shalt  }
0x51: {  	_ =	shalt  }
0x52: {  	_ =	shalt  }
0x53: {  	_ =	shalt  }
0x54: {  	_ =	shalt  }
0x55: {  	_ =	shalt  }
0x56: {  	_ =	shalt  }
0x57: {  	_ =	shalt  }
0x58: {  	_ =	shalt  }
0x59: {  	_ =	shalt  }
0x5a: {  	_ =	shalt  }
0x5b: {  	_ =	shalt  }
0x5c: {  	_ =	shalt  }
0x5d: {  	_ =	shalt  }
0x5e: {  	_ =	shalt  }
0x5f: {  	_ =	shalt  }
0x60: {  	_ =	shalt  }
0x61: {  	_ =	shalt  }
0x62: {  	_ =	shalt  }
0x63: {  	_ =	shalt  }
0x64: {  	_ =	shalt  }
0x65: {  	_ =	shalt  }
0x66: {  	_ =	shalt  }
0x67: {  	_ =	shalt  }
0x68: {  	_ =	shalt  }
0x69: {  	_ =	shalt  }
0x6a: {  	_ =	shalt  }
0x6b: {  	_ =	shalt  }
0x6c: {  	_ =	shalt  }
0x6d: {  	_ =	shalt  }
0x6e: {  	_ =	shalt  }
0x6f: {  	_ =	shalt  }
0x70: {  	_ =	shalt  }
0x71: {  	_ =	shalt  }
0x72: {  	_ =	shalt  }
0x73: {  	_ =	shalt  }
0x74: {  	_ =	shalt  }
0x75: {  	_ =	shalt  }
0x76: {  	_ =	shalt  }
0x77: {  	_ =	shalt  }
0x78: {  	_ =	shalt  }
0x79: {  	_ =	shalt  }
0x7a: {  	_ =	shalt  }
0x7b: {  	_ =	shalt  }
0x7c: {  	_ =	shalt  }
0x7d: {  	_ =	shalt  }
0x7e: {  	_ =	shalt  }
0x7f: {  	_ =	shalt  }
0x80: {  	_ =	shalt  }
0x81: {  	_ =	shalt  }
0x82: {  	_ =	shalt  }
0x83: {  	_ =	shalt  }
0x84: {  	_ =	shalt  }
0x85: {  	_ =	shalt  }
0x86: {  	_ =	shalt  }
0x87: {  	_ =	shalt  }
.Lfunc_end0:
.L_simem_size_0:
called_computation_lowered:
.L_overlay_start_0:
0x88: {  	s2 =	sld [smem:$0x3FD9]  }
0x89: {  	s3 =	sld [smem:$0x3FFE];
	_ =	sdelay $0x1  }
0x8a: {  	s1 =	srdreg.scid  }
0x8b: {  	s0 =	sand.u32 $0x1, s1  }
0x8c: {  	s17 =	sshll.u32 s0, $0xA;
	s2 =	sadd.s32 s3, s2  }
0x8d: {  	s2 =	sadd.s32 s2, s17  }
0x8e: {  	[smem:$0x3FC6] =	sst s2  }
0x8f: {  	_ = 	snop  }
0x90: {  	s2 =	sld [smem:$0x3FC8]  }
0x91: {  	s18 =	sld [smem:$0x3FD0];
	(tm) =	ssettm $0x1  }
0x92: {  	s4 =	sld [smem:$0x3FFB];
	_ =	sdelay $0x3  }
0x93: {  	_ =	strace s4  }
0x94: {  	s4 =	sld [smem:$0x3FFC];
	_ =	sdelay $0x3  }
0x95: {  	_ =	strace s4  }
0x96: {  	s4 =	sld [smem:$0x3FFD];
	_ =	sdelay $0x3  }
0x97: {  	_ =	strace s4  }
0x98: {  	_ =	strace $0x8FFFFFFF  }
0x99: {  	s19 =	sld [smem:$0x3FDB];
	_ =	sdelay $0x1  }
0x9a: {  	s5 =	simm.s32 $_scs_section_size  }
0x9b: {  	s6 =	simm.s32 $_size__tile_overlayer_lowered;
	s7 =	simm.s32 $_tile_overlayer_lowered  }
0x9c: {  	s22 =	simm.s32 $0x1BFF;
	s21 =	sshll.u32 s7, $0x1;
	s4 =	sadd.s32 s5, s19  }
0x9d: {  	s8 =	simm.s32 $0x0;
	s20 =	sshll.u32 s6, $0x1;
	s6 =	sadd.s32 s21, s4  }
0x9e: {  	[timem:s8], [sflag:s22] =	dma.local [hbm:s6], s20  }
0x9f: {  	_ =	swait.ge [sflag:s22], s20  }
0xa0: {  	s5 =	ssub.s32 $0x0, s20;
	[sflag:s22] =	ssyncset.done $0x0  }
0xa1: {  	[sflag:s22] =	ssyncadd.s32 s5;
	_ =	sdelay $0x1  }
0xa2: {  	s23 =	simm.s32 $0x1B8B  }
0xa3: {  	_ =	swait.ge [sflag:s23], $0x1  }
0xa4: {  	[sflag:s23] =	ssyncset.done $0x0  }
0xa5: {  	s25 =	simm.s32 $0x1B8E;
	s24 =	sld [smem:$0x3FFE];
	[sflag:s23] =	ssyncadd.s32 $0xFFFFFFFF  }
0xa6: {  	s26 =	simm.s32 $execute0_lowered;
	[smem:$0x3FD2] =	sst s25  }
0xa7: {  	s6 =	sshll.u32 s26, $0x1;
	_ =	strace $0x80000046;
	[dreg:$0x1] =	wrdreg $0xFFFFFFFF  }
0xa8: {  	s28 =	simm.s32 $_size_execute0_lowered;
	s4 =	sadd.s32 s4, s6;
	[dreg:$0x0] =	wrdreg $0x0  }
0xa9: {  	s6 =	sshll.u32 s28, $0x1;
	[dreg:$0x2] =	wrdreg s4  }
0xaa: {  	[dreg:$0x3] =	wrdreg s6  }
0xab: {  	[dreg:$0x4] =	wrdreg $0xC0  }
0xac: {  	_ =	task [dreg:s8], $0x5FFFF  }
0xad: {  	[dreg:$0x1] =	wrdreg $0xFFFFFFFF  }
0xae: {  	[dreg:$0x0] =	wrdreg $0x60  }
0xaf: {  	[dreg:$0x2] =	wrdreg s24  }
0xb0: {  	[dreg:$0x3] =	wrdreg s2  }
0xb1: {  	[dreg:$0x4] =	wrdreg s18  }
0xb2: {  	[dreg:$0x5] =	wrdreg $0x9  }
0xb3: {  	_ =	task.clear_ibuf [dreg:s8], $0x6FFFF;
	_ =	strace $0x90000046  }
0xb4: {  	s29 =	simm.s32 $0x9;
	_ =	strace $0x80000048  }
0xb5: {  	_ =	swait.ge [sflag:s29], $0x1  }
0xb6: {  	[sflag:s29] =	ssyncadd.s32 $0xFFFFFFFF  }
0xb7: {  	_ =	strace $0x90000048  }
0xb8: {  	_ =	sfence  }
0xb9: {  	s30 =	sld [smem:$0x0];
	_ =	sdelay $0x2  }
0xba: {  	s31 =	sshll.u32 s1, $0xD;
	s1 =	sshrl.u32 s1, $0x2  }
0xbb: {  	s3 =	sand.u32 $0x4000, s31;
	s1 =	sadd.s32 s1, s30  }
0xbc: {  	s0 =	sor.u32 s3, s0;
	s1 =	sshll.u32 s1, $0x11  }
0xbd: {  	s0 =	sor.u32 s1, s0  }
0xbe: {  	s0 =	sadd.s32 $0x8F2B, s0  }
0xbf: {  	[sflag:s0] =	ssyncadd.remote.s32 $0x1  }
0xc0: {  	_ =	sfence.sel $0xFFFF  }
0xc1: {  	[dreg:$0x0] =	wrdreg $0xFFFFFFFF;
	(pc) =	sbr.abs _section_cstart, $3  }
0xc2: {  	[dreg:$0x1] =	wrdreg $0xFFFFFFFF  }
0xc3: {  	_ =	task.clear_ibuf [dreg:s8], $0x2FFFF;
	_ =	strace $0x9FFFFFFF  }
0xc4: {  	(tm) =	ssettm $0x7FFFFFFF  }
0xc5: {  	_ =	shalt  }
tec
execute0_lowered:
.L_overlay_start_1:
0x0: {  	(tag) =	ssettag $0x1  }
0x1: {  	s0 =	rddreg [dreg:$0x0]  }
0x2: {  	s1 =	srdreg.scid;
	s2 =	rddreg [dreg:$0x1]  }
0x3: {  	s8 =	stileid.u32;
	s11 =	rddreg [dreg:$0x2];
	s4 =	simm.s32 $0x0  }
0x4: {  	s29 =	simm.s32 $0x9900;
	s30 =	simm.s32 $0x1;
	s1 =	sand.u32 $0x1, s1  }
0x5: {  	s3 =	sshll.u32 s8, $0x1;
	s17 =	sshll.u32 s8, $0xF;
	s8 =	sshll.u32 s8, $0xC  }
0x6: {  	s3 =	sor.u32 s1, s3;
	s6 =	ssub.s32 $0x2, s1;
	s18 =	sshll.u32 s1, $0xE  }
0x7: {  	s1 =	sshll.u32 s1, $0xB;
	s5 =	smul.u32 $0x320, s3;
	s3 =	sshll.u32 s3, $0xB  }
0x8: {  	[smem:$0x7FF] =	sst s4;
	s1 =	sor.u32 s1, s8;
	s7 =	sadd.s32 s11, s3  }
0x9: {  	_ =	strace $0x80000047;
	[dreg:$0x4] =	wrdreg s1;
	s9 =	sadd.s32 $0x10000, s7  }
0xa: {  	s28 =	simm.s32 $0xF900;
	s10 =	sadd.s32 $0x10400, s7;
	[dreg:$0xa] =	wrdreg s9  }
0xb: {  	s31 =	simm.s32 $0x13900;
	s12 =	sadd.s32 $0x2F0400, s7;
	[dreg:$0xb] =	wrdreg s10  }
0xc: {  	s26 =	sshrl.u32 s6, $0x1;
	s13 =	sadd.s32 $0x20000, s7;
	[dreg:$0xc] =	wrdreg s12  }
0xd: {  	s8 =	simm.s32 $0x4;
	s14 =	sadd.s32 $0x300000, s7;
	[dreg:$0xd] =	wrdreg s13  }
0xe: {  	s6 =	ssub.s32 s6, s26;
	s15 =	sadd.s32 $0x300400, s7;
	[dreg:$0xe] =	wrdreg s14  }
0xf: {  	s0 =	sadd.s32 s5, s0;
	s16 =	sadd.s32 $0x310000, s7;
	[dreg:$0xf] =	wrdreg s15  }
0x10: {  	s5 =	sadd.s32 $0x400, s11;
	s19 =	sadd.s32 $0x310400, s7;
	[dreg:$0x10] =	wrdreg s16  }
0x11: {  	s6 =	smax.u32 s6, $0x1;
	s0 =	sadd.s32 $0x400, s0;
	[dreg:$0x11] =	wrdreg s19  }
0x12: {  	s3 =	sadd.s32 s3, s5;
	[dreg:$0x12] =	wrdreg s6;
	s19 =	simm.s32 $0x5  }
0x13: {  	s6 =	simm.s32 $0x3;
	[dreg:$0x8] =	wrdreg s0;
	s0 =	sor.u32 s18, s17  }
0x14: {  	s9 =	simm.s32 $0x0;
	[dreg:$0x9] =	wrdreg s3;
	s20 =	sor.u32 $0x200000, s0  }
0x15: {  	s22 =	sor.u32 $0x180000, s0;
	s23 =	sor.u32 $0x100000, s0;
	s12 =	sor.u32 $0x280000, s0  }
0x16: {  	s0 =	simm.s32 $0x11900;
	s21 =	sshrl.u32 s20, $0x3;
	s3 =	sshrl.u32 s22, $0x3  }
0x17: {  	s25 =	sshrl.u32 s23, $0x3;
	s20 =	simm.s32 $0x40;
	s1 =	sor.u32 $0x400, s21  }
0x18: {  	s22 =	simm.s32 $0x3900;
	s24 =	sor.u32 $0x400, s3;
	[dreg:$0x5] =	wrdreg s1  }
0x19: {  	s23 =	simm.s32 $0xD900;
	s26 =	sor.u32 $0x400, s25;
	[dreg:$0x6] =	wrdreg s24  }
0x1a: {  	s21 =	simm.s32 $0x1900;
	s25 =	simm.s32 $0x2;
	[dreg:$0x7] =	wrdreg s26  }
0x1b: {  	s24 =	simm.s32 $0x5900;
	s26 =	simm.s32 $0x7900;
	s1 =	simm.s32 $0xB900  }
.LBB2_1:
0x1c: {  	s3 =	rddreg [dreg:$0x8]  }
0x1d: {  	[tilespmem:s4], [sflag:$0x5] =	stream.linear.gather [hbm4b:s3+s4], $0x1900, $0x38;
	[tilespmem:$0x15900] =	vst v63  }
0x1e: {  	_ =	swait.ge [sflag:s19], $0x1900  }
0x1f: {  	[sflag:s19] =	ssyncset.done $0x0  }
0x20: {  	[sflag:s19] =	ssyncadd.s32 $0xFFFFE700  }
0x21: {  	[tilespmem:s21], [sflag:$0x1] =	stream.indirect.gather [hbm4b:s2+s20], $0x80, s4, s20, $0xb8;
	[tilespmem:$0x15900] =	vst v63  }
0x22: {  	_ = 	snop  }
0x23: {  	[tilespmem:s22], [sflag:$0x1] =	stream.indirect.gather [hbm4b:s2+s20], $0x80, s20, s20, $0xb8;
	[tilespmem:$0x15900] =	vst v63  }
0x24: {  	s18 =	simm.s32 $0x80  }
0x25: {  	[tilespmem:s24], [sflag:$0x1] =	stream.indirect.gather [hbm4b:s2+s20], $0x80, s18, s20, $0xb8;
	[tilespmem:$0x15900] =	vst v63  }
0x26: {  	s10 =	simm.s32 $0xC0  }
0x27: {  	[tilespmem:s26], [sflag:$0x1] =	stream.indirect.gather [hbm4b:s2+s20], $0x80, s10, s20, $0xb8;
	[tilespmem:$0x15900] =	vst v63  }
0x28: {  	s13 =	simm.s32 $0x100  }
0x29: {  	[tilespmem:s29], [sflag:$0x1] =	stream.indirect.gather [hbm4b:s2+s20], $0x80, s13, s20, $0xb8;
	[tilespmem:$0x15900] =	vst v63  }
0x2a: {  	_ =	swait.ge [sflag:s30], $0x2000  }
0x2b: {  	[sflag:s30] =	ssyncset.done $0x0  }
0x2c: {  	[sflag:s30] =	ssyncadd.s32 $0xFFFFE000  }
0x2d: {  	_ =	swait.ge [sflag:s30], $0x2000  }
0x2e: {  	[sflag:s30] =	ssyncset.done $0x0  }
0x2f: {  	[sflag:s30] =	ssyncadd.s32 $0xFFFFE000  }
0x30: {  	_ =	swait.ge [sflag:s30], $0x2000  }
0x31: {  	[sflag:s30] =	ssyncset.done $0x0  }
0x32: {  	[sflag:s30] =	ssyncadd.s32 $0xFFFFE000  }
0x33: {  	_ =	swait.ge [sflag:s30], $0x2000  }
0x34: {  	[sflag:s30] =	ssyncset.done $0x0  }
0x35: {  	[sflag:s30] =	ssyncadd.s32 $0xFFFFE000  }
0x36: {  	_ =	swait.ge [sflag:s30], $0x2000  }
0x37: {  	[sflag:s30] =	ssyncset.done $0x0  }
0x38: {  	[sflag:s30] =	ssyncadd.s32 $0xFFFFE000  }
0x39: {  	[hbm4b:s7+s4] =	stream.linear.scatter [tilespmem:s21], [sflag:$0x3], $0x2000, $0x38;
	[tilespmem:$0x15900] =	vst v63  }
0x3a: {  	s14 =	rddreg [dreg:$0x9]  }
0x3b: {  	[hbm4b:s14+s4] =	stream.linear.scatter [tilespmem:s22], [sflag:$0x3], $0x2000, $0x38;
	[tilespmem:$0x15900] =	vst v63  }
0x3c: {  	s15 =	rddreg [dreg:$0xa]  }
0x3d: {  	[hbm4b:s15+s4] =	stream.linear.scatter [tilespmem:s24], [sflag:$0x3], $0x2000, $0x38;
	[tilespmem:$0x15900] =	vst v63  }
0x3e: {  	s16 =	rddreg [dreg:$0xb]  }
0x3f: {  	[hbm4b:s16+s4] =	stream.linear.scatter [tilespmem:s26], [sflag:$0x3], $0x2000, $0x38;
	[tilespmem:$0x15900] =	vst v63  }
0x40: {  	s17 =	rddreg [dreg:$0xd]  }
0x41: {  	[hbm4b:s17+s4] =	stream.linear.scatter [tilespmem:s29], [sflag:$0x3], $0x2000, $0x38;
	[tilespmem:$0x15900] =	vst v63  }
0x42: {  	s18 =	simm.s32 $0x140  }
0x43: {  	[tilespmem:s1], [sflag:$0x2] =	stream.indirect.gather [hbm4b:s2+s20], $0x80, s18, s20, $0xb8;
	[tilespmem:$0x15900] =	vst v63  }
0x44: {  	s10 =	simm.s32 $0x180  }
0x45: {  	[tilespmem:s23], [sflag:$0x2] =	stream.indirect.gather [hbm4b:s2+s20], $0x80, s10, s20, $0xb8;
	[tilespmem:$0x15900] =	vst v63  }
0x46: {  	s13 =	simm.s32 $0x1C0  }
0x47: {  	[tilespmem:s28], [sflag:$0x2] =	stream.indirect.gather [hbm4b:s2+s20], $0x80, s13, s20, $0xb8;
	[tilespmem:$0x15900] =	vst v63  }
0x48: {  	s14 =	simm.s32 $0x200  }
0x49: {  	[tilespmem:s0], [sflag:$0x2] =	stream.indirect.gather [hbm4b:s2+s20], $0x80, s14, s20, $0xb8;
	[tilespmem:$0x15900] =	vst v63  }
0x4a: {  	s15 =	simm.s32 $0x240  }
0x4b: {  	[tilespmem:s31], [sflag:$0x2] =	stream.indirect.gather [hbm4b:s2+s20], $0x80, s15, s20, $0xb8;
	[tilespmem:$0x15900] =	vst v63  }
0x4c: {  	_ =	swait.ge [sflag:s25], $0x2000  }
0x4d: {  	[sflag:s25] =	ssyncset.done $0x0  }
0x4e: {  	[sflag:s25] =	ssyncadd.s32 $0xFFFFE000  }
0x4f: {  	_ =	swait.ge [sflag:s25], $0x2000  }
0x50: {  	[sflag:s25] =	ssyncset.done $0x0  }
0x51: {  	[sflag:s25] =	ssyncadd.s32 $0xFFFFE000  }
0x52: {  	_ =	swait.ge [sflag:s25], $0x2000  }
0x53: {  	[sflag:s25] =	ssyncset.done $0x0  }
0x54: {  	[sflag:s25] =	ssyncadd.s32 $0xFFFFE000  }
0x55: {  	_ =	swait.ge [sflag:s25], $0x2000  }
0x56: {  	[sflag:s25] =	ssyncset.done $0x0  }
0x57: {  	[sflag:s25] =	ssyncadd.s32 $0xFFFFE000  }
0x58: {  	_ =	swait.ge [sflag:s25], $0x2000  }
0x59: {  	s16 =	rddreg [dreg:$0x7]  }
0x5a: {  	s10 =	rddreg [dreg:$0x4];
	[sflag:s25] =	ssyncset.done $0x0  }
0x5b: {  	[sflag:s25] =	ssyncadd.s32 $0xFFFFE000;
	s3 =	sadd.s32 s11, s16;
	s10 =	sadd.s32 s11, s10  }
0x5c: {  	[hbm4b:s3+s4] =	stream.linear.scatter [tilespmem:s1], [sflag:$0x4], $0x2000, $0x38;
	[tilespmem:$0x15900] =	vst v63  }
0x5d: {  	s17 =	rddreg [dreg:$0x6];
	s13 =	sadd.s32 $0x30000, s10  }
0x5e: {  	[hbm4b:s13+s4] =	stream.linear.scatter [tilespmem:s23], [sflag:$0x4], $0x2000, $0x38;
	[tilespmem:$0x15900] =	vst v63  }
0x5f: {  	s3 =	sadd.s32 s11, s17  }
0x60: {  	[hbm4b:s3+s4] =	stream.linear.scatter [tilespmem:s28], [sflag:$0x4], $0x2000, $0x38;
	[tilespmem:$0x15900] =	vst v63  }
0x61: {  	s18 =	rddreg [dreg:$0x5];
	s14 =	sadd.s32 $0x40000, s10  }
0x62: {  	[hbm4b:s14+s4] =	stream.linear.scatter [tilespmem:s0], [sflag:$0x4], $0x2000, $0x38;
	[tilespmem:$0x15900] =	vst v63  }
0x63: {  	s15 =	sadd.s32 s11, s18  }
0x64: {  	[hbm4b:s15+s4] =	stream.linear.scatter [tilespmem:s31], [sflag:$0x4], $0x2000, $0x38;
	[tilespmem:$0x15900] =	vst v63  }
0x65: {  	_ =	swait.ge [sflag:s6], $0x2000  }
0x66: {  	[sflag:s6] =	ssyncset.done $0x0  }
0x67: {  	[sflag:s6] =	ssyncadd.s32 $0xFFFFE000  }
0x68: {  	_ =	swait.ge [sflag:s6], $0x2000  }
0x69: {  	[sflag:s6] =	ssyncset.done $0x0  }
0x6a: {  	[sflag:s6] =	ssyncadd.s32 $0xFFFFE000  }
0x6b: {  	_ =	swait.ge [sflag:s6], $0x2000  }
0x6c: {  	[sflag:s6] =	ssyncset.done $0x0  }
0x6d: {  	[sflag:s6] =	ssyncadd.s32 $0xFFFFE000  }
0x6e: {  	_ =	swait.ge [sflag:s6], $0x2000  }
0x6f: {  	[sflag:s6] =	ssyncset.done $0x0  }
0x70: {  	[sflag:s6] =	ssyncadd.s32 $0xFFFFE000  }
0x71: {  	_ =	swait.ge [sflag:s6], $0x2000  }
0x72: {  	[sflag:s6] =	ssyncset.done $0x0  }
0x73: {  	s16 =	simm.s32 $0x280;
	[sflag:s6] =	ssyncadd.s32 $0xFFFFE000  }
0x74: {  	[tilespmem:s21], [sflag:$0x1] =	stream.indirect.gather [hbm4b:s2+s20], $0x80, s16, s20, $0xb8;
	[tilespmem:$0x15900] =	vst v63  }
0x75: {  	s17 =	simm.s32 $0x2C0  }
0x76: {  	[tilespmem:s22], [sflag:$0x1] =	stream.indirect.gather [hbm4b:s2+s20], $0x80, s17, s20, $0xb8;
	[tilespmem:$0x15900] =	vst v63  }
0x77: {  	s18 =	simm.s32 $0x300  }
0x78: {  	[tilespmem:s24], [sflag:$0x1] =	stream.indirect.gather [hbm4b:s2+s20], $0x80, s18, s20, $0xb8;
	[tilespmem:$0x15900] =	vst v63  }
0x79: {  	s13 =	simm.s32 $0x340  }
0x7a: {  	[tilespmem:s26], [sflag:$0x1] =	stream.indirect.gather [hbm4b:s2+s20], $0x80, s13, s20, $0xb8;
	[tilespmem:$0x15900] =	vst v63  }
0x7b: {  	s14 =	simm.s32 $0x380  }
0x7c: {  	[tilespmem:s29], [sflag:$0x1] =	stream.indirect.gather [hbm4b:s2+s20], $0x80, s14, s20, $0xb8;
	[tilespmem:$0x15900] =	vst v63  }
0x7d: {  	_ =	swait.ge [sflag:s30], $0x2000  }
0x7e: {  	[sflag:s30] =	ssyncset.done $0x0  }
0x7f: {  	[sflag:s30] =	ssyncadd.s32 $0xFFFFE000  }
0x80: {  	_ =	swait.ge [sflag:s30], $0x2000  }
0x81: {  	[sflag:s30] =	ssyncset.done $0x0  }
0x82: {  	[sflag:s30] =	ssyncadd.s32 $0xFFFFE000  }
0x83: {  	_ =	swait.ge [sflag:s30], $0x2000  }
0x84: {  	[sflag:s30] =	ssyncset.done $0x0  }
0x85: {  	[sflag:s30] =	ssyncadd.s32 $0xFFFFE000  }
0x86: {  	_ =	swait.ge [sflag:s30], $0x2000  }
0x87: {  	[sflag:s30] =	ssyncset.done $0x0  }
0x88: {  	[sflag:s30] =	ssyncadd.s32 $0xFFFFE000  }
0x89: {  	_ =	swait.ge [sflag:s30], $0x2000  }
0x8a: {  	[sflag:s30] =	ssyncset.done $0x0  }
0x8b: {  	s15 =	sadd.s32 $0x50000, s10;
	s16 =	sshrl.u32 s12, $0x3;
	[sflag:s30] =	ssyncadd.s32 $0xFFFFE000  }
0x8c: {  	[hbm4b:s15+s4] =	stream.linear.scatter [tilespmem:s21], [sflag:$0x3], $0x2000, $0x38;
	[tilespmem:$0x15900] =	vst v63  }
0x8d: {  	s17 =	sadd.s32 s16, s5  }
0x8e: {  	[hbm4b:s17+s4] =	stream.linear.scatter [tilespmem:s22], [sflag:$0x3], $0x2000, $0x38;
	[tilespmem:$0x15900] =	vst v63  }
0x8f: {  	s18 =	sadd.s32 $0x60000, s10  }
0x90: {  	[hbm4b:s18+s4] =	stream.linear.scatter [tilespmem:s24], [sflag:$0x3], $0x2000, $0x38;
	[tilespmem:$0x15900] =	vst v63  }
0x91: {  	s13 =	sadd.s32 $0x60400, s10  }
0x92: {  	[hbm4b:s13+s4] =	stream.linear.scatter [tilespmem:s26], [sflag:$0x3], $0x2000, $0x38;
	[tilespmem:$0x15900] =	vst v63  }
0x93: {  	s14 =	sadd.s32 $0x70000, s10  }
0x94: {  	[hbm4b:s14+s4] =	stream.linear.scatter [tilespmem:s29], [sflag:$0x3], $0x2000, $0x38;
	[tilespmem:$0x15900] =	vst v63  }
0x95: {  	_ =	swait.ge [sflag:s8], $0x2000  }
0x96: {  	[sflag:s8] =	ssyncset.done $0x0  }
0x97: {  	[sflag:s8] =	ssyncadd.s32 $0xFFFFE000  }
0x98: {  	_ =	swait.ge [sflag:s8], $0x2000  }
0x99: {  	[sflag:s8] =	ssyncset.done $0x0  }
0x9a: {  	[sflag:s8] =	ssyncadd.s32 $0xFFFFE000  }
0x9b: {  	_ =	swait.ge [sflag:s8], $0x2000  }
0x9c: {  	[sflag:s8] =	ssyncset.done $0x0  }
0x9d: {  	[sflag:s8] =	ssyncadd.s32 $0xFFFFE000  }
0x9e: {  	_ =	swait.ge [sflag:s8], $0x2000  }
0x9f: {  	[sflag:s8] =	ssyncset.done $0x0  }
0xa0: {  	[sflag:s8] =	ssyncadd.s32 $0xFFFFE000  }
0xa1: {  	_ =	swait.ge [sflag:s8], $0x2000  }
0xa2: {  	[sflag:s8] =	ssyncset.done $0x0  }
0xa3: {  	s15 =	simm.s32 $0x3C0;
	[sflag:s8] =	ssyncadd.s32 $0xFFFFE000  }
0xa4: {  	[tilespmem:s1], [sflag:$0x2] =	stream.indirect.gather [hbm4b:s2+s20], $0x80, s15, s20, $0xb8;
	[tilespmem:$0x15900] =	vst v63  }
0xa5: {  	s16 =	simm.s32 $0x400  }
0xa6: {  	[tilespmem:s23], [sflag:$0x2] =	stream.indirect.gather [hbm4b:s2+s20], $0x80, s16, s20, $0xb8;
	[tilespmem:$0x15900] =	vst v63  }
0xa7: {  	s17 =	simm.s32 $0x440  }
0xa8: {  	[tilespmem:s28], [sflag:$0x2] =	stream.indirect.gather [hbm4b:s2+s20], $0x80, s17, s20, $0xb8;
	[tilespmem:$0x15900] =	vst v63  }
0xa9: {  	s3 =	smov.u32 s11;
	s18 =	simm.s32 $0x480  }
0xaa: {  	[tilespmem:s0], [sflag:$0x2] =	stream.indirect.gather [hbm4b:s2+s20], $0x80, s18, s20, $0xb8;
	[tilespmem:$0x15900] =	vst v63  }
0xab: {  	s10 =	simm.s32 $0xA00;
	s13 =	simm.s32 $0x4C0;
	s18 =	smov.u32 s12  }
.LBB2_2:
0xac: {  	[tilespmem:s31], [sflag:$0x2] =	stream.indirect.gather [hbm4b:s2+s20], $0x80, s13, s20, $0xb8;
	[tilespmem:$0x15900] =	vst v63  }
0xad: {  	_ =	swait.ge [sflag:s25], $0x2000  }
0xae: {  	[sflag:s25] =	ssyncset.done $0x0  }
0xaf: {  	[sflag:s25] =	ssyncadd.s32 $0xFFFFE000  }
0xb0: {  	_ =	swait.ge [sflag:s25], $0x2000  }
0xb1: {  	[sflag:s25] =	ssyncset.done $0x0  }
0xb2: {  	[sflag:s25] =	ssyncadd.s32 $0xFFFFE000  }
0xb3: {  	_ =	swait.ge [sflag:s25], $0x2000  }
0xb4: {  	[sflag:s25] =	ssyncset.done $0x0  }
0xb5: {  	[sflag:s25] =	ssyncadd.s32 $0xFFFFE000  }
0xb6: {  	_ =	swait.ge [sflag:s25], $0x2000  }
0xb7: {  	[sflag:s25] =	ssyncset.done $0x0  }
0xb8: {  	[sflag:s25] =	ssyncadd.s32 $0xFFFFE000  }
0xb9: {  	_ =	swait.ge [sflag:s25], $0x2000  }
0xba: {  	s3 =	sadd.s32 $0x50000, s3;
	s14 =	rddreg [dreg:$0x7];
	[sflag:s25] =	ssyncset.done $0x0  }
0xbb: {  	s15 =	rddreg [dreg:$0x4];
	[sflag:s25] =	ssyncadd.s32 $0xFFFFE000;
	s14 =	sadd.s32 s3, s14  }
0xbc: {  	[hbm4b:s14+s4] =	stream.linear.scatter [tilespmem:s1], [sflag:$0x4], $0x2000, $0x38;
	[tilespmem:$0x15900] =	vst v63  }
0xbd: {  	s14 =	sadd.s32 s3, s15  }
0xbe: {  	s16 =	rddreg [dreg:$0x6];
	s15 =	sadd.s32 $0x30000, s14  }
0xbf: {  	[hbm4b:s15+s4] =	stream.linear.scatter [tilespmem:s23], [sflag:$0x4], $0x2000, $0x38;
	[tilespmem:$0x15900] =	vst v63  }
0xc0: {  	s16 =	sadd.s32 s3, s16  }
0xc1: {  	[hbm4b:s16+s4] =	stream.linear.scatter [tilespmem:s28], [sflag:$0x4], $0x2000, $0x38;
	[tilespmem:$0x15900] =	vst v63  }
0xc2: {  	s17 =	rddreg [dreg:$0x5];
	s15 =	sadd.s32 $0x40000, s14  }
0xc3: {  	[hbm4b:s15+s4] =	stream.linear.scatter [tilespmem:s0], [sflag:$0x4], $0x2000, $0x38;
	[tilespmem:$0x15900] =	vst v63  }
0xc4: {  	s16 =	sadd.s32 s3, s17  }
0xc5: {  	[hbm4b:s16+s4] =	stream.linear.scatter [tilespmem:s31], [sflag:$0x4], $0x2000, $0x38;
	[tilespmem:$0x15900] =	vst v63  }
0xc6: {  	_ =	swait.ge [sflag:s6], $0x2000  }
0xc7: {  	[sflag:s6] =	ssyncset.done $0x0  }
0xc8: {  	[sflag:s6] =	ssyncadd.s32 $0xFFFFE000  }
0xc9: {  	_ =	swait.ge [sflag:s6], $0x2000  }
0xca: {  	[sflag:s6] =	ssyncset.done $0x0  }
0xcb: {  	[sflag:s6] =	ssyncadd.s32 $0xFFFFE000  }
0xcc: {  	_ =	swait.ge [sflag:s6], $0x2000  }
0xcd: {  	[sflag:s6] =	ssyncset.done $0x0  }
0xce: {  	[sflag:s6] =	ssyncadd.s32 $0xFFFFE000  }
0xcf: {  	_ =	swait.ge [sflag:s6], $0x2000  }
0xd0: {  	[sflag:s6] =	ssyncset.done $0x0  }
0xd1: {  	[sflag:s6] =	ssyncadd.s32 $0xFFFFE000  }
0xd2: {  	s13 =	smov.u32 s10;
	_ =	swait.ge [sflag:s6], $0x2000  }
0xd3: {  	s13 =	sshra.s32 s13, $0x2;
	[sflag:s6] =	ssyncset.done $0x0  }
0xd4: {  	s17 =	sadd.s32 $0x280, s13;
	[sflag:s6] =	ssyncadd.s32 $0xFFFFE000  }
0xd5: {  	[tilespmem:s21], [sflag:$0x1] =	stream.indirect.gather [hbm4b:s2+s20], $0x80, s17, s20, $0xb8;
	[tilespmem:$0x15900] =	vst v63  }
0xd6: {  	s16 =	sadd.s32 $0x2C0, s13  }
0xd7: {  	[tilespmem:s22], [sflag:$0x1] =	stream.indirect.gather [hbm4b:s2+s20], $0x80, s16, s20, $0xb8;
	[tilespmem:$0x15900] =	vst v63  }
0xd8: {  	s17 =	sadd.s32 $0x300, s13  }
0xd9: {  	[tilespmem:s24], [sflag:$0x1] =	stream.indirect.gather [hbm4b:s2+s20], $0x80, s17, s20, $0xb8;
	[tilespmem:$0x15900] =	vst v63  }
0xda: {  	s16 =	sadd.s32 $0x340, s13  }
0xdb: {  	[tilespmem:s26], [sflag:$0x1] =	stream.indirect.gather [hbm4b:s2+s20], $0x80, s16, s20, $0xb8;
	[tilespmem:$0x15900] =	vst v63  }
0xdc: {  	s17 =	sadd.s32 $0x380, s13  }
0xdd: {  	[tilespmem:s29], [sflag:$0x1] =	stream.indirect.gather [hbm4b:s2+s20], $0x80, s17, s20, $0xb8;
	[tilespmem:$0x15900] =	vst v63  }
0xde: {  	_ =	swait.ge [sflag:s30], $0x2000  }
0xdf: {  	[sflag:s30] =	ssyncset.done $0x0  }
0xe0: {  	[sflag:s30] =	ssyncadd.s32 $0xFFFFE000  }
0xe1: {  	_ =	swait.ge [sflag:s30], $0x2000  }
0xe2: {  	[sflag:s30] =	ssyncset.done $0x0  }
0xe3: {  	[sflag:s30] =	ssyncadd.s32 $0xFFFFE000  }
0xe4: {  	_ =	swait.ge [sflag:s30], $0x2000  }
0xe5: {  	[sflag:s30] =	ssyncset.done $0x0  }
0xe6: {  	[sflag:s30] =	ssyncadd.s32 $0xFFFFE000  }
0xe7: {  	_ =	swait.ge [sflag:s30], $0x2000  }
0xe8: {  	[sflag:s30] =	ssyncset.done $0x0  }
0xe9: {  	[sflag:s30] =	ssyncadd.s32 $0xFFFFE000  }
0xea: {  	_ =	swait.ge [sflag:s30], $0x2000  }
0xeb: {  	s18 =	sadd.s32 $0x280000, s18;
	[sflag:s30] =	ssyncset.done $0x0  }
0xec: {  	s16 =	sadd.s32 $0x50000, s14;
	s17 =	sshrl.u32 s18, $0x3;
	[sflag:s30] =	ssyncadd.s32 $0xFFFFE000  }
0xed: {  	[hbm4b:s16+s4] =	stream.linear.scatter [tilespmem:s21], [sflag:$0x3], $0x2000, $0x38;
	[tilespmem:$0x15900] =	vst v63  }
0xee: {  	s17 =	sadd.s32 s17, s5  }
0xef: {  	[hbm4b:s17+s4] =	stream.linear.scatter [tilespmem:s22], [sflag:$0x3], $0x2000, $0x38;
	[tilespmem:$0x15900] =	vst v63  }
0xf0: {  	s16 =	sadd.s32 $0x60000, s14  }
0xf1: {  	[hbm4b:s16+s4] =	stream.linear.scatter [tilespmem:s24], [sflag:$0x3], $0x2000, $0x38;
	[tilespmem:$0x15900] =	vst v63  }
0xf2: {  	s17 =	sadd.s32 $0x60400, s14  }
0xf3: {  	[hbm4b:s17+s4] =	stream.linear.scatter [tilespmem:s26], [sflag:$0x3], $0x2000, $0x38;
	[tilespmem:$0x15900] =	vst v63  }
0xf4: {  	s14 =	sadd.s32 $0x70000, s14  }
0xf5: {  	[hbm4b:s14+s4] =	stream.linear.scatter [tilespmem:s29], [sflag:$0x3], $0x2000, $0x38;
	[tilespmem:$0x15900] =	vst v63  }
0xf6: {  	_ =	swait.ge [sflag:s8], $0x2000  }
0xf7: {  	[sflag:s8] =	ssyncset.done $0x0  }
0xf8: {  	[sflag:s8] =	ssyncadd.s32 $0xFFFFE000  }
0xf9: {  	_ =	swait.ge [sflag:s8], $0x2000  }
0xfa: {  	[sflag:s8] =	ssyncset.done $0x0  }
0xfb: {  	[sflag:s8] =	ssyncadd.s32 $0xFFFFE000  }
0xfc: {  	_ =	swait.ge [sflag:s8], $0x2000  }
0xfd: {  	[sflag:s8] =	ssyncset.done $0x0  }
0xfe: {  	[sflag:s8] =	ssyncadd.s32 $0xFFFFE000  }
0xff: {  	_ =	swait.ge [sflag:s8], $0x2000  }
0x100: {  	[sflag:s8] =	ssyncset.done $0x0  }
0x101: {  	[sflag:s8] =	ssyncadd.s32 $0xFFFFE000  }
0x102: {  	_ =	swait.ge [sflag:s8], $0x2000  }
0x103: {  	[sflag:s8] =	ssyncset.done $0x0  }
0x104: {  	s16 =	sadd.s32 $0x3C0, s13;
	[sflag:s8] =	ssyncadd.s32 $0xFFFFE000  }
0x105: {  	[tilespmem:s1], [sflag:$0x2] =	stream.indirect.gather [hbm4b:s2+s20], $0x80, s16, s20, $0xb8;
	[tilespmem:$0x15900] =	vst v63  }
0x106: {  	p0 =	sne.s32 s10, $0x5000;
	s17 =	sadd.s32 $0x400, s13  }
0x107: {  	[tilespmem:s23], [sflag:$0x2] =	stream.indirect.gather [hbm4b:s2+s20], $0x80, s17, s20, $0xb8;
	[tilespmem:$0x15900] =	vst v63  }
.Ltmp0:
0x108: {  	_ = 	snop;
	(pc) =	sbr.rel @p0 .LBB2_2-.Ltmp0, $4  }
0x109: {  	s16 =	sadd.s32 $0x440, s13  }
0x10a: {  	[tilespmem:s28], [sflag:$0x2] =	stream.indirect.gather [hbm4b:s2+s20], $0x80, s16, s20, $0xb8;
	[tilespmem:$0x15900] =	vst v63  }
0x10b: {  	s10 =	sadd.s32 $0xA00, s10;
	s17 =	sadd.s32 $0x480, s13;
	s13 =	sadd.s32 $0x4C0, s13  }
0x10c: {  	[tilespmem:s0], [sflag:$0x2] =	stream.indirect.gather [hbm4b:s2+s20], $0x80, s17, s20, $0xb8;
	[tilespmem:$0x15900] =	vst v63  }
0x10d: {  	[tilespmem:s31], [sflag:$0x2] =	stream.indirect.gather [hbm4b:s2+s20], $0x80, s13, s20, $0xb8;
	[tilespmem:$0x15900] =	vst v63  }
0x10e: {  	_ =	swait.ge [sflag:s25], $0x2000  }
0x10f: {  	[sflag:s25] =	ssyncset.done $0x0  }
0x110: {  	[sflag:s25] =	ssyncadd.s32 $0xFFFFE000  }
0x111: {  	_ =	swait.ge [sflag:s25], $0x2000  }
0x112: {  	[sflag:s25] =	ssyncset.done $0x0  }
0x113: {  	[sflag:s25] =	ssyncadd.s32 $0xFFFFE000  }
0x114: {  	_ =	swait.ge [sflag:s25], $0x2000  }
0x115: {  	[sflag:s25] =	ssyncset.done $0x0  }
0x116: {  	[sflag:s25] =	ssyncadd.s32 $0xFFFFE000  }
0x117: {  	_ =	swait.ge [sflag:s25], $0x2000  }
0x118: {  	[sflag:s25] =	ssyncset.done $0x0  }
0x119: {  	[sflag:s25] =	ssyncadd.s32 $0xFFFFE000  }
0x11a: {  	_ =	swait.ge [sflag:s25], $0x2000  }
0x11b: {  	[sflag:s25] =	ssyncset.done $0x0  }
0x11c: {  	s3 =	rddreg [dreg:$0xc];
	[sflag:s25] =	ssyncadd.s32 $0xFFFFE000  }
0x11d: {  	[hbm4b:s3+s4] =	stream.linear.scatter [tilespmem:s1], [sflag:$0x4], $0x2000, $0x38;
	[tilespmem:$0x15900] =	vst v63  }
0x11e: {  	s14 =	rddreg [dreg:$0xe]  }
0x11f: {  	[hbm4b:s14+s4] =	stream.linear.scatter [tilespmem:s23], [sflag:$0x4], $0x2000, $0x38;
	[tilespmem:$0x15900] =	vst v63  }
0x120: {  	s15 =	rddreg [dreg:$0xf]  }
0x121: {  	[hbm4b:s15+s4] =	stream.linear.scatter [tilespmem:s28], [sflag:$0x4], $0x2000, $0x38;
	[tilespmem:$0x15900] =	vst v63  }
0x122: {  	s16 =	rddreg [dreg:$0x10]  }
0x123: {  	[hbm4b:s16+s4] =	stream.linear.scatter [tilespmem:s0], [sflag:$0x4], $0x2000, $0x38;
	[tilespmem:$0x15900] =	vst v63  }
0x124: {  	s17 =	rddreg [dreg:$0x11]  }
0x125: {  	[hbm4b:s17+s4] =	stream.linear.scatter [tilespmem:s31], [sflag:$0x4], $0x2000, $0x38;
	[tilespmem:$0x15900] =	vst v63  }
0x126: {  	_ =	swait.ge [sflag:s6], $0x2000  }
0x127: {  	[sflag:s6] =	ssyncset.done $0x0  }
0x128: {  	[sflag:s6] =	ssyncadd.s32 $0xFFFFE000  }
0x129: {  	_ =	swait.ge [sflag:s6], $0x2000  }
0x12a: {  	[sflag:s6] =	ssyncset.done $0x0  }
0x12b: {  	[sflag:s6] =	ssyncadd.s32 $0xFFFFE000  }
0x12c: {  	_ =	swait.ge [sflag:s6], $0x2000  }
0x12d: {  	[sflag:s6] =	ssyncset.done $0x0  }
0x12e: {  	[sflag:s6] =	ssyncadd.s32 $0xFFFFE000  }
0x12f: {  	_ =	swait.ge [sflag:s6], $0x2000  }
0x130: {  	[sflag:s6] =	ssyncset.done $0x0  }
0x131: {  	[sflag:s6] =	ssyncadd.s32 $0xFFFFE000  }
0x132: {  	_ =	swait.ge [sflag:s6], $0x2000  }
0x133: {  	[sflag:s6] =	ssyncset.done $0x0  }
0x134: {  	[sflag:s6] =	ssyncadd.s32 $0xFFFFE000  }
0x135: {  	_ =	swait.ge [sflag:s8], $0x2000  }
0x136: {  	[sflag:s8] =	ssyncset.done $0x0  }
0x137: {  	[sflag:s8] =	ssyncadd.s32 $0xFFFFE000  }
0x138: {  	_ =	swait.ge [sflag:s8], $0x2000  }
0x139: {  	[sflag:s8] =	ssyncset.done $0x0  }
0x13a: {  	[sflag:s8] =	ssyncadd.s32 $0xFFFFE000  }
0x13b: {  	_ =	swait.ge [sflag:s8], $0x2000  }
0x13c: {  	[sflag:s8] =	ssyncset.done $0x0  }
0x13d: {  	[sflag:s8] =	ssyncadd.s32 $0xFFFFE000  }
0x13e: {  	_ =	swait.ge [sflag:s8], $0x2000  }
0x13f: {  	[sflag:s8] =	ssyncset.done $0x0  }
0x140: {  	[sflag:s8] =	ssyncadd.s32 $0xFFFFE000  }
0x141: {  	_ =	swait.ge [sflag:s8], $0x2000  }
0x142: {  	s9 =	sadd.s32 $0x1, s9;
	s18 =	rddreg [dreg:$0x12]  }
0x143: {  	p0 =	sne.s32 s9, s18  }
.Ltmp1:
0x144: {  	_ = 	snop;
	(pc) =	sbr.rel @p0 .LBB2_1-.Ltmp1, $3  }
0x145: {  	_ =	sdelay $0x1  }
0x146: {  	[sflag:s8] =	ssyncset.done $0x0  }
0x147: {  	[sflag:s8] =	ssyncadd.s32 $0xFFFFE000  }
0x148: {  	_ =	sfence.sel $0x180000  }
0x149: {  	[bflag:$0x0] =	sbarrier.arrive $0xFFFF  }
0x14a: {  	_ =	strace $0x90000047  }
0x14b: {  	s0 =	stileid.u32;
	[bflag:$0x2] =	sbarrier.arrive $0xFFFF  }
0x14c: {  	p0 =	sne.s32 s0, $0x0;
	s0 =	rddreg [dreg:$0x3]  }
0x14d: {  	s0 =	sadd.s32 @!p0 $0x100000, s0  }
0x14e: {  	[sflag:s0] =	ssyncadd.tile.s32 @!p0 $0x1;
	_ =	shalt  }
.Lfunc_end2:
_tile_overlayer_lowered:
.L_overlay_start_2:
0x14f: {  	(tag) =	ssettag $0x2  }
0x150: {  	s0 =	rddreg [dreg:$0x0];
	s2 =	stileid.u32  }
0x151: {  	s1 =	rddreg [dreg:$0x1];
	p0 =	sne.s32 s2, $0x0  }
0x152: {  	s3 =	rddreg [dreg:$0x2];
	[bflag:$0x3] =	sbarrier.arrive $0xFFFF;
	s2 =	simm.s32 @!p0 $0x1C05  }
0x153: {  	[timem:s3], [sflag:s2] =	dma.local @!p0 [hbm:s0], s1  }
0x154: {  	s0 =	simm.s32 @!p0 $0x5  }
0x155: {  	_ =	swait.ge @!p0 [sflag:s0], s1  }
0x156: {  	s1 =	ssub.s32 @!p0 $0x0, s1;
	[sflag:s0] =	ssyncset.done @!p0 $0x0  }
0x157: {  	[sflag:s0] =	ssyncadd.s32 @!p0 s1  }
0x158: {  	[bflag:$0x3] =	sbarrier.arrive $0xFFFF  }
0x159: {  	_ =	shalt  }

</sc_bundles>
